<compile_context>
chip_gen: v7x
topology: tpu7x:2x2x1
jax: 0.10.2.dev20260603
libtpu: 0.0.44.dev20260713+nightly
codegen_flags: <defaults>
</compile_context>

<pallas_src>
import functools

import jax
import jax.numpy as jnp
from jax import lax
from jax.experimental import pallas as pl
from jax.experimental.pallas import tpu as pltpu
from jax.experimental.pallas import tpu_sc as plsc

NUM_EMBEDDINGS = 1024
EMBEDDING_DIM = 64
N_TOK = 32768
TOK_BLK = 2048
N_BLKS = N_TOK // TOK_BLK
BLKS_PER_BATCH = 4096 // TOK_BLK
COMMITMENT_COST = 0.25


def _dist_argmin_body(x_ref, w1_ref, b1_ref, emb_ref, idx_ref, dsum_ref):
    b = pl.program_id(0)
    j = pl.program_id(1)
    first = jnp.logical_and(b == 0, j == 0)

    x = x_ref[0]
    w1 = w1_ref[...]
    flat = jnp.dot(w1, x, preferred_element_type=jnp.float32) + b1_ref[...]
    f2 = jnp.sum(flat * flat, axis=0, keepdims=True)
    emb = emb_ref[...]
    e2 = jnp.sum(emb * emb, axis=1, keepdims=True)
    xe2 = jnp.dot(emb, flat + flat, preferred_element_type=jnp.float32)
    dist = e2 - xe2

    minv = jnp.min(dist, axis=0, keepdims=True)
    kio = lax.broadcasted_iota(jnp.int32, (NUM_EMBEDDINGS, TOK_BLK), 0)
    idxv = jnp.min(jnp.where(dist == minv, kio, jnp.int32(2**30)), axis=0)
    idx_ref[...] = idxv.reshape(1, 1, TOK_BLK)

    @pl.when(first)
    def _():
        dsum_ref[...] = jnp.zeros_like(dsum_ref)

    dsum_ref[...] += (jnp.sum(minv) + jnp.sum(f2)).reshape(1, 1)


def _run_dist_argmin(x_c_t, w1, b1, emb):
    return pl.pallas_call(
        _dist_argmin_body,
        grid=(8, N_TOK // (8 * TOK_BLK)),
        in_specs=[
            pl.BlockSpec((1, 128, TOK_BLK), lambda b, j: (b, 0, j)),
            pl.BlockSpec((EMBEDDING_DIM, 128), lambda b, j: (0, 0)),
            pl.BlockSpec((EMBEDDING_DIM, 1), lambda b, j: (0, 0)),
            pl.BlockSpec((NUM_EMBEDDINGS, EMBEDDING_DIM), lambda b, j: (0, 0)),
        ],
        out_specs=[
            pl.BlockSpec((1, 1, TOK_BLK),
                         lambda b, j: (b * BLKS_PER_BATCH + j, 0, 0)),
            pl.BlockSpec((1, 1), lambda b, j: (0, 0)),
        ],
        out_shape=[
            jax.ShapeDtypeStruct((N_BLKS, 1, TOK_BLK), jnp.int32),
            jax.ShapeDtypeStruct((1, 1), jnp.float32),
        ],
    )(x_c_t, w1, b1, emb)


_SC_WORKERS = 32
_B_PER_W = N_TOK // _SC_WORKERS
_GCHUNK = 128


def _sc_gather(emb2, idx3):
    mesh = plsc.VectorSubcoreMesh(core_axis_name="c", subcore_axis_name="s")

    @functools.partial(
        pl.kernel,
        mesh=mesh,
        out_type=jax.ShapeDtypeStruct((N_TOK, 128), jnp.float32),
        scratch_types=[
            pltpu.VMEM((_B_PER_W // _GCHUNK, _GCHUNK), jnp.int32),
            pltpu.VMEM((_B_PER_W // 2, 128), jnp.float32),
            pltpu.VMEM_SHARED((NUM_EMBEDDINGS, 128), jnp.float32),
            pltpu.SemaphoreType.DMA,
        ],
    )
    def gather_kernel(emb_hbm, idx_hbm, out_hbm, idx_v, rows_v, emb_s, sem):
        sid = lax.axis_index("s")
        wid = sid * 2 + lax.axis_index("c")
        base = wid * _B_PER_W

        @pl.when(sid == 0)
        def _():
            pltpu.sync_copy(emb_hbm, emb_s)

        pltpu.sync_copy(idx_hbm.at[wid], idx_v)
        plsc.subcore_barrier()

        half_chunks = _B_PER_W // _GCHUNK // 2
        for h in range(2):
            cps = [
                pltpu.async_copy(
                    emb_s.at[idx_v.at[h * half_chunks + j]],
                    rows_v.at[pl.ds(j * _GCHUNK, _GCHUNK)],
                    sem,
                )
                for j in range(half_chunks)
            ]
            for cp in cps:
                cp.wait()
            pltpu.sync_copy(
                rows_v, out_hbm.at[pl.ds(base + h * (_B_PER_W // 2),
                                         _B_PER_W // 2)])

    return gather_kernel(emb2, idx3)


_QPAD = 4240
_C_BATCH = 2


def _conv2_body(q_ref, w2_ref, b2_ref, idx_ref, dsum_ref,
                qn_ref, nv_ref, loss_ref, perp_ref, qext_ref, cnt_ref):
    b = pl.program_id(0)
    nsteps = pl.num_programs(0)
    wio = lax.broadcasted_iota(jnp.int32, (1, 4096), 1) % 64
    mask_l = jnp.where(wio >= 1, jnp.float32(1), jnp.float32(0)).astype(
        jnp.bfloat16)
    mask_r = jnp.where(wio <= 62, jnp.float32(1), jnp.float32(0)).astype(
        jnp.bfloat16)
    for i in range(_C_BATCH):
        q = q_ref[i][:, :EMBEDDING_DIM]
        qt = lax.transpose(q, (1, 0))
        qn_ref[i] = qt

        qext_ref[...] = jnp.zeros((EMBEDDING_DIM, _QPAD), jnp.bfloat16)
        qext_ref[:, pl.ds(72, 4096)] = qt.astype(jnp.bfloat16)

        acc = jnp.broadcast_to(b2_ref[...], (128, 4096))
        for ky in range(3):
            for kx in range(3):
                s = (ky - 1) * 64 + (kx - 1)
                qs = qext_ref[:, pl.ds(72 + s, 4096)]
                if kx == 0:
                    qs = qs * mask_l
                elif kx == 2:
                    qs = qs * mask_r
                acc = acc + jnp.dot(w2_ref[3 * ky + kx], qs,
                                    preferred_element_type=jnp.float32)
        nv_ref[i] = acc

    nt = _C_BATCH * 4096
    idx_row = idx_ref[0]
    hi = idx_row >> 7
    hits_hi = jnp.where(
        lax.broadcasted_iota(jnp.int32, (8, nt), 0) == hi,
        jnp.float32(1), jnp.float32(0))
    lo_t = lax.transpose(idx_row & 127, (1, 0))
    hits_lo = jnp.where(
        lax.broadcasted_iota(jnp.int32, (nt, 128), 1) == lo_t,
        jnp.float32(1), jnp.float32(0))
    cpart = jnp.dot(hits_hi, hits_lo,
                    preferred_element_type=jnp.float32)

    @pl.when(b == 0)
    def _():
        cnt_ref[...] = jnp.zeros_like(cnt_ref)

    cnt_ref[...] += cpart

    @pl.when(b == nsteps - 1)
    def _():
        p = cnt_ref[...] * (1.0 / N_TOK)
        ent = jnp.sum(p * jnp.log(p + 1e-10))
        perp_ref[...] = jnp.exp(-ent).reshape(1, 1)
        loss_ref[...] = ((1.0 + COMMITMENT_COST)
                         * (1.0 / (N_TOK * EMBEDDING_DIM)) * dsum_ref[...])


def _run_conv2(quant, w2r, b2, idx8, dsum):
    return pl.pallas_call(
        _conv2_body,
        grid=(8 // _C_BATCH,),
        in_specs=[
            pl.BlockSpec((_C_BATCH, 4096, 128), lambda b: (b, 0, 0)),
            pl.BlockSpec((9, 128, EMBEDDING_DIM), lambda b: (0, 0, 0)),
            pl.BlockSpec((128, 1), lambda b: (0, 0)),
            pl.BlockSpec((1, 1, _C_BATCH * 4096), lambda b: (b, 0, 0)),
            pl.BlockSpec((1, 1), lambda b: (0, 0)),
        ],
        out_specs=[
            pl.BlockSpec((_C_BATCH, EMBEDDING_DIM, 4096), lambda b: (b, 0, 0)),
            pl.BlockSpec((_C_BATCH, 128, 4096), lambda b: (b, 0, 0)),
            pl.BlockSpec((1, 1), lambda b: (0, 0)),
            pl.BlockSpec((1, 1), lambda b: (0, 0)),
        ],
        out_shape=[
            jax.ShapeDtypeStruct((8, EMBEDDING_DIM, 4096), jnp.float32),
            jax.ShapeDtypeStruct((8, 128, 4096), jnp.float32),
            jax.ShapeDtypeStruct((1, 1), jnp.float32),
            jax.ShapeDtypeStruct((1, 1), jnp.float32),
        ],
        scratch_shapes=[pltpu.VMEM((EMBEDDING_DIM, _QPAD), jnp.bfloat16),
                        pltpu.VMEM((8, 128), jnp.float32)],
    )(quant, w2r, b2, idx8, dsum)


def kernel(inputs, conv1_w, conv1_b, emb, conv2_w, conv2_b):
    B, C, H, W = inputs.shape
    x_c_t = inputs.reshape(B, C, H * W)
    w1 = conv1_w.reshape(EMBEDDING_DIM, C)
    b1 = conv1_b.reshape(EMBEDDING_DIM, 1)

    idx3, dsum = _run_dist_argmin(x_c_t, w1, b1, emb)
    idx_flat = idx3.reshape(N_TOK)

    emb2 = jnp.pad(emb, ((0, 0), (0, 128 - EMBEDDING_DIM)))
    quant = _sc_gather(emb2, idx3.reshape(_SC_WORKERS, _B_PER_W // _GCHUNK,
                                          _GCHUNK))

    w2r = jnp.transpose(conv2_w, (2, 3, 0, 1)).reshape(
        9, 128, EMBEDDING_DIM).astype(jnp.bfloat16)
    b2 = conv2_b.reshape(128, 1)
    idx8 = idx3.reshape(8 // _C_BATCH, 1, _C_BATCH * 4096)
    qn, nv, loss, perp = _run_conv2(quant.reshape(B, H * W, 128),
                                    w2r, b2, idx8, dsum)

    q_nchw = qn.reshape(B, EMBEDDING_DIM, H, W)
    new_vec = nv.reshape(B, C, H, W)
    return (loss.reshape(()), q_nchw, new_vec, perp.reshape(()),
            idx_flat[:, None])

# --- scband reference (transcript-rebuilt; emitter-appended) ---
"""Pipeline reference for scband-vector-quantizer-ema-541165879922 (READ-ONLY COPY).

The authoritative reference and input builder live on the scoring server;
editing this copy changes nothing except your own understanding.
"""

import jax, jax.numpy as jnp
import numpy as np

NUM_HIDDENS = 128
NUM_EMBEDDINGS = 1024
EMBEDDING_DIM = 64
COMMITMENT_COST = 0.25


def conv2d(x, w, b, padding):
    out = jax.lax.conv_general_dilated(
        x, w, window_strides=(1, 1), padding=padding,
        dimension_numbers=("NCHW", "OIHW", "NCHW"))
    return out + b[None, :, None, None]


def setup_inputs(seed: int = 0) -> dict:
    key = jax.random.key(seed)
    k0, k1, k2, k3, k4, k5 = jax.random.split(key, 6)
    B, H, W = 8, 64, 64
    inputs = jax.random.normal(k0, (B, NUM_HIDDENS, H, W), dtype=jnp.float32)
    # 1x1 mapping conv: in=128, out=embedding_dim=64
    fan1 = NUM_HIDDENS * 1 * 1
    conv1_w = jax.random.uniform(k1, (EMBEDDING_DIM, NUM_HIDDENS, 1, 1), dtype=jnp.float32,
                                 minval=-1.0, maxval=1.0) / np.float32(np.sqrt(fan1))
    conv1_b = jax.random.uniform(k2, (EMBEDDING_DIM,), dtype=jnp.float32,
                                 minval=-1.0, maxval=1.0) / np.float32(np.sqrt(fan1))
    # codebook (embedding.weight.data.normal_())
    emb = jax.random.normal(k3, (NUM_EMBEDDINGS, EMBEDDING_DIM), dtype=jnp.float32)
    # 3x3 mapping conv: in=64, out=128, padding=1
    fan2 = EMBEDDING_DIM * 3 * 3
    conv2_w = jax.random.uniform(k4, (NUM_HIDDENS, EMBEDDING_DIM, 3, 3), dtype=jnp.float32,
                                 minval=-1.0, maxval=1.0) / np.float32(np.sqrt(fan2))
    conv2_b = jax.random.uniform(k5, (NUM_HIDDENS,), dtype=jnp.float32,
                                 minval=-1.0, maxval=1.0) / np.float32(np.sqrt(fan2))
    return {"inputs": inputs, "conv1_w": conv1_w, "conv1_b": conv1_b,
            "emb": emb, "conv2_w": conv2_w, "conv2_b": conv2_b}


def reference(inputs, conv1_w, conv1_b, emb, conv2_w, conv2_b):
    # eval-mode forward (self.training == False: no EMA buffer updates)
    x = conv2d(inputs, conv1_w, conv1_b, "VALID")          # [B, D, H, W]
    inp = jnp.transpose(x, (0, 2, 3, 1))                   # [B, H, W, D]
    input_shape = inp.shape
    flat_input = inp.reshape(-1, EMBEDDING_DIM)            # [N, D]
    distances = (jnp.sum(flat_input ** 2, axis=1, keepdims=True)
                 + jnp.sum(emb ** 2, axis=1)
                 - 2.0 * flat_input @ emb.T)               # [N, K]
    encoding_indices = jnp.argmin(distances, axis=1)       # [N]
    encodings = jax.nn.one_hot(encoding_indices, NUM_EMBEDDINGS, dtype=flat_input.dtype)
    quantized = (encodings @ emb).reshape(input_shape)     # [B, H, W, D]
    e_latent_loss = jnp.mean((jax.lax.stop_gradient(quantized) - inp) ** 2)
    q_latent_loss = jnp.mean((quantized - jax.lax.stop_gradient(inp)) ** 2)
    loss = COMMITMENT_COST * e_latent_loss + q_latent_loss
    quantized_st = inp + jax.lax.stop_gradient(quantized - inp)
    avg_probs = jnp.mean(encodings, axis=0)
    perplexity = jnp.exp(-jnp.sum(avg_probs * jnp.log(avg_probs + 1e-10)))
    q_nchw = jnp.transpose(quantized_st, (0, 3, 1, 2))     # [B, D, H, W]
    new_vec = conv2d(q_nchw, conv2_w, conv2_b, "SAME")     # [B, 128, H, W]
    return (loss, q_nchw, new_vec, perplexity, encoding_indices[:, None])

if __name__ == "__main__":
    import jax
    _d = setup_inputs()
    print(jax.jit(kernel)(*tuple(_d.values())))

</pallas_src>

<mosaic_0001>
#map = affine_map<(d0, d1) -> (0, 0)>
#map1 = affine_map<(d0, d1) -> (0, 0, 0)>
module attributes {stable_mosaic.version = 14 : i64} {
  func.func @gather_kernel(%arg0: i32, %arg1: i32, %arg2: memref<1024x128xf32, #tpu.memory_space<hbm>>, %arg3: memref<32x8x128xi32, #tpu.memory_space<hbm>>, %arg4: memref<32768x128xf32, #tpu.memory_space<hbm>>, %arg5: memref<8x128xi32, #tpu.memory_space<vmem>>, %arg6: memref<512x128xf32, #tpu.memory_space<vmem>>, %arg7: memref<1024x128xf32, #tpu.memory_space<vmem_shared>>, %arg8: memref<!tpu.dma_semaphore, #tpu.memory_space<semaphore_mem>>) attributes {dimension_semantics = [#tpu.dimension_semantics<core_parallel>, #tpu.dimension_semantics<subcore_parallel>], iteration_bounds = array<i64: 2, 16>, scalar_prefetch = 0 : i64, scratch_operands = 4 : i64, tpu.core_type = #tpu.core_type<sc_vector_subcore>, window_params = [{transform_indices = #map}, {transform_indices = #map1}, {transform_indices = #map}]} {
    %mul3A = arith.constant 2 : i32
    %mul3A_0 = arith.muli %arg1, %mul3A : i32
    %add3A = arith.addi %mul3A_0, %arg0 : i32
    %mul3A_1 = arith.constant 1024 : i32
    %mul3A_2 = arith.muli %add3A, %mul3A_1 : i32
    %eq3A = arith.constant 0 : i32
    %eq3A_3 = arith.cmpi eq, %arg1, %eq3A : i32
    %convert_element_type3A = arith.extui %eq3A_3 : i1 to i32
    %cond3A = arith.constant 0 : i32
    %cond3A_4 = arith.cmpi ne, %convert_element_type3A, %cond3A : i32
    scf.if %cond3A_4 {
      "tpu.region"() ({
        %run_scoped3A = tpu.sem_alloc : memref<!tpu.dma_semaphore, #tpu.memory_space<semaphore_mem>>
        tpu.enqueue_dma source(%arg2 : memref<1024x128xf32, #tpu.memory_space<hbm>>) target(%arg7 : memref<1024x128xf32, #tpu.memory_space<vmem_shared>>) target_semaphore(%run_scoped3A : memref<!tpu.dma_semaphore, #tpu.memory_space<semaphore_mem>>)
        tpu.wait_dma2 semaphore(%run_scoped3A : memref<!tpu.dma_semaphore, #tpu.memory_space<semaphore_mem>>) src(%arg2 : memref<1024x128xf32, #tpu.memory_space<hbm>>) dst(%arg7 : memref<1024x128xf32, #tpu.memory_space<vmem_shared>>)
        tpu.yield
      }) : () -> ()
    } else {
    }
    "tpu.region"() ({
      %run_scoped3A = tpu.sem_alloc : memref<!tpu.dma_semaphore, #tpu.memory_space<semaphore_mem>>
      %dma_start3A_167 = arith.constant 0 : i32
      %dma_start3A_168 = arith.constant 0 : i32
      %dma_start3A_169 = tpu.memref_slice %arg3[%add3A, %dma_start3A_167, %dma_start3A_168] : memref<32x8x128xi32, #tpu.memory_space<hbm>> -> memref<1x8x128xi32, #tpu.memory_space<hbm>>
      %dma_start3A_170 = tpu.memref_squeeze %dma_start3A_169 : memref<1x8x128xi32, #tpu.memory_space<hbm>> -> memref<8x128xi32, #tpu.memory_space<hbm>>
      %dma_start3A_171 = arith.constant 0 : i32
      %dma_start3A_172 = arith.constant 0 : i32
      %dma_start3A_173 = tpu.memref_slice %arg3[%add3A, %dma_start3A_171, %dma_start3A_172] : memref<32x8x128xi32, #tpu.memory_space<hbm>> -> memref<1x8x128xi32, #tpu.memory_space<hbm>>
      %dma_start3A_174 = tpu.memref_squeeze %dma_start3A_173 : memref<1x8x128xi32, #tpu.memory_space<hbm>> -> memref<8x128xi32, #tpu.memory_space<hbm>>
      tpu.enqueue_dma source(%dma_start3A_174 : memref<8x128xi32, #tpu.memory_space<hbm>>) target(%arg5 : memref<8x128xi32, #tpu.memory_space<vmem>>) target_semaphore(%run_scoped3A : memref<!tpu.dma_semaphore, #tpu.memory_space<semaphore_mem>>)
      %dma_wait3A_175 = arith.constant 0 : i32
      %dma_wait3A_176 = arith.constant 0 : i32
      %dma_wait3A_177 = tpu.memref_slice %arg3[%add3A, %dma_wait3A_175, %dma_wait3A_176] : memref<32x8x128xi32, #tpu.memory_space<hbm>> -> memref<1x8x128xi32, #tpu.memory_space<hbm>>
      %dma_wait3A_178 = tpu.memref_squeeze %dma_wait3A_177 : memref<1x8x128xi32, #tpu.memory_space<hbm>> -> memref<8x128xi32, #tpu.memory_space<hbm>>
      %dma_wait3A_179 = arith.constant 0 : i32
      %dma_wait3A_180 = arith.constant 0 : i32
      %dma_wait3A_181 = tpu.memref_slice %arg3[%add3A, %dma_wait3A_179, %dma_wait3A_180] : memref<32x8x128xi32, #tpu.memory_space<hbm>> -> memref<1x8x128xi32, #tpu.memory_space<hbm>>
      %dma_wait3A_182 = tpu.memref_squeeze %dma_wait3A_181 : memref<1x8x128xi32, #tpu.memory_space<hbm>> -> memref<8x128xi32, #tpu.memory_space<hbm>>
      tpu.wait_dma2 semaphore(%run_scoped3A : memref<!tpu.dma_semaphore, #tpu.memory_space<semaphore_mem>>) src(%dma_wait3A_182 : memref<8x128xi32, #tpu.memory_space<hbm>>) dst(%arg5 : memref<8x128xi32, #tpu.memory_space<vmem>>)
      tpu.yield
    }) : () -> ()
    %barrier3A = arith.constant 0 : index
    tpu.barrier barrier_id(%barrier3A)
    %dma_start3A = arith.constant 0 : i32
    %dma_start3A_5 = arith.constant 0 : i32
    %dma_start3A_6 = arith.constant 0 : i32
    %dma_start3A_7 = tpu.memref_slice %arg6[%dma_start3A_5, %dma_start3A_6] : memref<512x128xf32, #tpu.memory_space<vmem>> -> memref<128x128xf32, #tpu.memory_space<vmem>>
    %dma_start3A_8 = arith.constant 0 : i32
    %dma_start3A_9 = tpu.memref_slice %arg5[%dma_start3A, %dma_start3A_8] : memref<8x128xi32, #tpu.memory_space<vmem>> -> memref<1x128xi32, #tpu.memory_space<vmem>>
    %dma_start3A_10 = tpu.memref_squeeze %dma_start3A_9 : memref<1x128xi32, #tpu.memory_space<vmem>> -> memref<128xi32, #tpu.memory_space<vmem>>
    %dma_start3A_11 = arith.constant 0 : i32
    %dma_start3A_12 = arith.constant 0 : i32
    %dma_start3A_13 = tpu.memref_slice %arg7[%dma_start3A_11, %dma_start3A_12] : memref<1024x128xf32, #tpu.memory_space<vmem_shared>> -> memref<1024x128xf32, #tpu.memory_space<vmem_shared>>
    tpu.enqueue_indirect_dma source(%dma_start3A_13 : memref<1024x128xf32, #tpu.memory_space<vmem_shared>>) target(%dma_start3A_7 : memref<128x128xf32, #tpu.memory_space<vmem>>) offsets(%dma_start3A_10 : memref<128xi32, #tpu.memory_space<vmem>>) semaphore(%arg8 : memref<!tpu.dma_semaphore, #tpu.memory_space<semaphore_mem>>)
    %dma_start3A_14 = arith.constant 1 : i32
    %dma_start3A_15 = arith.constant 128 : i32
    %dma_start3A_16 = arith.constant 0 : i32
    %dma_start3A_17 = tpu.memref_slice %arg6[%dma_start3A_15, %dma_start3A_16] : memref<512x128xf32, #tpu.memory_space<vmem>> -> memref<128x128xf32, #tpu.memory_space<vmem>>
    %dma_start3A_18 = arith.constant 0 : i32
    %dma_start3A_19 = tpu.memref_slice %arg5[%dma_start3A_14, %dma_start3A_18] : memref<8x128xi32, #tpu.memory_space<vmem>> -> memref<1x128xi32, #tpu.memory_space<vmem>>
    %dma_start3A_20 = tpu.memref_squeeze %dma_start3A_19 : memref<1x128xi32, #tpu.memory_space<vmem>> -> memref<128xi32, #tpu.memory_space<vmem>>
    %dma_start3A_21 = arith.constant 0 : i32
    %dma_start3A_22 = arith.constant 0 : i32
    %dma_start3A_23 = tpu.memref_slice %arg7[%dma_start3A_21, %dma_start3A_22] : memref<1024x128xf32, #tpu.memory_space<vmem_shared>> -> memref<1024x128xf32, #tpu.memory_space<vmem_shared>>
    tpu.enqueue_indirect_dma source(%dma_start3A_23 : memref<1024x128xf32, #tpu.memory_space<vmem_shared>>) target(%dma_start3A_17 : memref<128x128xf32, #tpu.memory_space<vmem>>) offsets(%dma_start3A_20 : memref<128xi32, #tpu.memory_space<vmem>>) semaphore(%arg8 : memref<!tpu.dma_semaphore, #tpu.memory_space<semaphore_mem>>)
    %dma_start3A_24 = arith.constant 2 : i32
    %dma_start3A_25 = arith.constant 256 : i32
    %dma_start3A_26 = arith.constant 0 : i32
    %dma_start3A_27 = tpu.memref_slice %arg6[%dma_start3A_25, %dma_start3A_26] : memref<512x128xf32, #tpu.memory_space<vmem>> -> memref<128x128xf32, #tpu.memory_space<vmem>>
    %dma_start3A_28 = arith.constant 0 : i32
    %dma_start3A_29 = tpu.memref_slice %arg5[%dma_start3A_24, %dma_start3A_28] : memref<8x128xi32, #tpu.memory_space<vmem>> -> memref<1x128xi32, #tpu.memory_space<vmem>>
    %dma_start3A_30 = tpu.memref_squeeze %dma_start3A_29 : memref<1x128xi32, #tpu.memory_space<vmem>> -> memref<128xi32, #tpu.memory_space<vmem>>
    %dma_start3A_31 = arith.constant 0 : i32
    %dma_start3A_32 = arith.constant 0 : i32
    %dma_start3A_33 = tpu.memref_slice %arg7[%dma_start3A_31, %dma_start3A_32] : memref<1024x128xf32, #tpu.memory_space<vmem_shared>> -> memref<1024x128xf32, #tpu.memory_space<vmem_shared>>
    tpu.enqueue_indirect_dma source(%dma_start3A_33 : memref<1024x128xf32, #tpu.memory_space<vmem_shared>>) target(%dma_start3A_27 : memref<128x128xf32, #tpu.memory_space<vmem>>) offsets(%dma_start3A_30 : memref<128xi32, #tpu.memory_space<vmem>>) semaphore(%arg8 : memref<!tpu.dma_semaphore, #tpu.memory_space<semaphore_mem>>)
    %dma_start3A_34 = arith.constant 3 : i32
    %dma_start3A_35 = arith.constant 384 : i32
    %dma_start3A_36 = arith.constant 0 : i32
    %dma_start3A_37 = tpu.memref_slice %arg6[%dma_start3A_35, %dma_start3A_36] : memref<512x128xf32, #tpu.memory_space<vmem>> -> memref<128x128xf32, #tpu.memory_space<vmem>>
    %dma_start3A_38 = arith.constant 0 : i32
    %dma_start3A_39 = tpu.memref_slice %arg5[%dma_start3A_34, %dma_start3A_38] : memref<8x128xi32, #tpu.memory_space<vmem>> -> memref<1x128xi32, #tpu.memory_space<vmem>>
    %dma_start3A_40 = tpu.memref_squeeze %dma_start3A_39 : memref<1x128xi32, #tpu.memory_space<vmem>> -> memref<128xi32, #tpu.memory_space<vmem>>
    %dma_start3A_41 = arith.constant 0 : i32
    %dma_start3A_42 = arith.constant 0 : i32
    %dma_start3A_43 = tpu.memref_slice %arg7[%dma_start3A_41, %dma_start3A_42] : memref<1024x128xf32, #tpu.memory_space<vmem_shared>> -> memref<1024x128xf32, #tpu.memory_space<vmem_shared>>
    tpu.enqueue_indirect_dma source(%dma_start3A_43 : memref<1024x128xf32, #tpu.memory_space<vmem_shared>>) target(%dma_start3A_37 : memref<128x128xf32, #tpu.memory_space<vmem>>) offsets(%dma_start3A_40 : memref<128xi32, #tpu.memory_space<vmem>>) semaphore(%arg8 : memref<!tpu.dma_semaphore, #tpu.memory_space<semaphore_mem>>)
    %dma_wait3A = arith.constant 0 : i32
    %dma_wait3A_44 = arith.constant 0 : i32
    %dma_wait3A_45 = arith.constant 0 : i32
    %dma_wait3A_46 = tpu.memref_slice %arg6[%dma_wait3A_44, %dma_wait3A_45] : memref<512x128xf32, #tpu.memory_space<vmem>> -> memref<128x128xf32, #tpu.memory_space<vmem>>
    %dma_wait3A_47 = arith.constant 0 : i32
    %dma_wait3A_48 = tpu.memref_slice %arg5[%dma_wait3A, %dma_wait3A_47] : memref<8x128xi32, #tpu.memory_space<vmem>> -> memref<1x128xi32, #tpu.memory_space<vmem>>
    %dma_wait3A_49 = tpu.memref_squeeze %dma_wait3A_48 : memref<1x128xi32, #tpu.memory_space<vmem>> -> memref<128xi32, #tpu.memory_space<vmem>>
    %dma_wait3A_50 = arith.constant 0 : i32
    %dma_wait3A_51 = arith.constant 0 : i32
    %dma_wait3A_52 = tpu.memref_slice %arg7[%dma_wait3A_50, %dma_wait3A_51] : memref<1024x128xf32, #tpu.memory_space<vmem_shared>> -> memref<1024x128xf32, #tpu.memory_space<vmem_shared>>
    tpu.wait_indirect_dma semaphore(%arg8 : memref<!tpu.dma_semaphore, #tpu.memory_space<semaphore_mem>>) src(%dma_wait3A_52 : memref<1024x128xf32, #tpu.memory_space<vmem_shared>>) dst(%dma_wait3A_46 : memref<128x128xf32, #tpu.memory_space<vmem>>)
    %dma_wait3A_53 = arith.constant 1 : i32
    %dma_wait3A_54 = arith.constant 128 : i32
    %dma_wait3A_55 = arith.constant 0 : i32
    %dma_wait3A_56 = tpu.memref_slice %arg6[%dma_wait3A_54, %dma_wait3A_55] : memref<512x128xf32, #tpu.memory_space<vmem>> -> memref<128x128xf32, #tpu.memory_space<vmem>>
    %dma_wait3A_57 = arith.constant 0 : i32
    %dma_wait3A_58 = tpu.memref_slice %arg5[%dma_wait3A_53, %dma_wait3A_57] : memref<8x128xi32, #tpu.memory_space<vmem>> -> memref<1x128xi32, #tpu.memory_space<vmem>>
    %dma_wait3A_59 = tpu.memref_squeeze %dma_wait3A_58 : memref<1x128xi32, #tpu.memory_space<vmem>> -> memref<128xi32, #tpu.memory_space<vmem>>
    %dma_wait3A_60 = arith.constant 0 : i32
    %dma_wait3A_61 = arith.constant 0 : i32
    %dma_wait3A_62 = tpu.memref_slice %arg7[%dma_wait3A_60, %dma_wait3A_61] : memref<1024x128xf32, #tpu.memory_space<vmem_shared>> -> memref<1024x128xf32, #tpu.memory_space<vmem_shared>>
    tpu.wait_indirect_dma semaphore(%arg8 : memref<!tpu.dma_semaphore, #tpu.memory_space<semaphore_mem>>) src(%dma_wait3A_62 : memref<1024x128xf32, #tpu.memory_space<vmem_shared>>) dst(%dma_wait3A_56 : memref<128x128xf32, #tpu.memory_space<vmem>>)
    %dma_wait3A_63 = arith.constant 2 : i32
    %dma_wait3A_64 = arith.constant 256 : i32
    %dma_wait3A_65 = arith.constant 0 : i32
    %dma_wait3A_66 = tpu.memref_slice %arg6[%dma_wait3A_64, %dma_wait3A_65] : memref<512x128xf32, #tpu.memory_space<vmem>> -> memref<128x128xf32, #tpu.memory_space<vmem>>
    %dma_wait3A_67 = arith.constant 0 : i32
    %dma_wait3A_68 = tpu.memref_slice %arg5[%dma_wait3A_63, %dma_wait3A_67] : memref<8x128xi32, #tpu.memory_space<vmem>> -> memref<1x128xi32, #tpu.memory_space<vmem>>
    %dma_wait3A_69 = tpu.memref_squeeze %dma_wait3A_68 : memref<1x128xi32, #tpu.memory_space<vmem>> -> memref<128xi32, #tpu.memory_space<vmem>>
    %dma_wait3A_70 = arith.constant 0 : i32
    %dma_wait3A_71 = arith.constant 0 : i32
    %dma_wait3A_72 = tpu.memref_slice %arg7[%dma_wait3A_70, %dma_wait3A_71] : memref<1024x128xf32, #tpu.memory_space<vmem_shared>> -> memref<1024x128xf32, #tpu.memory_space<vmem_shared>>
    tpu.wait_indirect_dma semaphore(%arg8 : memref<!tpu.dma_semaphore, #tpu.memory_space<semaphore_mem>>) src(%dma_wait3A_72 : memref<1024x128xf32, #tpu.memory_space<vmem_shared>>) dst(%dma_wait3A_66 : memref<128x128xf32, #tpu.memory_space<vmem>>)
    %dma_wait3A_73 = arith.constant 3 : i32
    %dma_wait3A_74 = arith.constant 384 : i32
    %dma_wait3A_75 = arith.constant 0 : i32
    %dma_wait3A_76 = tpu.memref_slice %arg6[%dma_wait3A_74, %dma_wait3A_75] : memref<512x128xf32, #tpu.memory_space<vmem>> -> memref<128x128xf32, #tpu.memory_space<vmem>>
    %dma_wait3A_77 = arith.constant 0 : i32
    %dma_wait3A_78 = tpu.memref_slice %arg5[%dma_wait3A_73, %dma_wait3A_77] : memref<8x128xi32, #tpu.memory_space<vmem>> -> memref<1x128xi32, #tpu.memory_space<vmem>>
    %dma_wait3A_79 = tpu.memref_squeeze %dma_wait3A_78 : memref<1x128xi32, #tpu.memory_space<vmem>> -> memref<128xi32, #tpu.memory_space<vmem>>
    %dma_wait3A_80 = arith.constant 0 : i32
    %dma_wait3A_81 = arith.constant 0 : i32
    %dma_wait3A_82 = tpu.memref_slice %arg7[%dma_wait3A_80, %dma_wait3A_81] : memref<1024x128xf32, #tpu.memory_space<vmem_shared>> -> memref<1024x128xf32, #tpu.memory_space<vmem_shared>>
    tpu.wait_indirect_dma semaphore(%arg8 : memref<!tpu.dma_semaphore, #tpu.memory_space<semaphore_mem>>) src(%dma_wait3A_82 : memref<1024x128xf32, #tpu.memory_space<vmem_shared>>) dst(%dma_wait3A_76 : memref<128x128xf32, #tpu.memory_space<vmem>>)
    %add3A_83 = arith.constant 0 : i32
    %add3A_84 = arith.addi %mul3A_2, %add3A_83 : i32
    "tpu.region"() ({
      %run_scoped3A = tpu.sem_alloc : memref<!tpu.dma_semaphore, #tpu.memory_space<semaphore_mem>>
      %dma_start3A_167 = arith.constant 0 : i32
      %dma_start3A_168 = tpu.memref_slice %arg4[%add3A_84, %dma_start3A_167] : memref<32768x128xf32, #tpu.memory_space<hbm>> -> memref<512x128xf32, #tpu.memory_space<hbm>>
      %dma_start3A_169 = arith.constant 0 : i32
      %dma_start3A_170 = tpu.memref_slice %arg4[%add3A_84, %dma_start3A_169] : memref<32768x128xf32, #tpu.memory_space<hbm>> -> memref<512x128xf32, #tpu.memory_space<hbm>>
      tpu.enqueue_dma source(%arg6 : memref<512x128xf32, #tpu.memory_space<vmem>>) target(%dma_start3A_170 : memref<512x128xf32, #tpu.memory_space<hbm>>) target_semaphore(%run_scoped3A : memref<!tpu.dma_semaphore, #tpu.memory_space<semaphore_mem>>)
      %dma_wait3A_171 = arith.constant 0 : i32
      %dma_wait3A_172 = tpu.memref_slice %arg4[%add3A_84, %dma_wait3A_171] : memref<32768x128xf32, #tpu.memory_space<hbm>> -> memref<512x128xf32, #tpu.memory_space<hbm>>
      %dma_wait3A_173 = arith.constant 0 : i32
      %dma_wait3A_174 = tpu.memref_slice %arg4[%add3A_84, %dma_wait3A_173] : memref<32768x128xf32, #tpu.memory_space<hbm>> -> memref<512x128xf32, #tpu.memory_space<hbm>>
      tpu.wait_dma2 semaphore(%run_scoped3A : memref<!tpu.dma_semaphore, #tpu.memory_space<semaphore_mem>>) src(%arg6 : memref<512x128xf32, #tpu.memory_space<vmem>>) dst(%dma_wait3A_174 : memref<512x128xf32, #tpu.memory_space<hbm>>)
      tpu.yield
    }) : () -> ()
    %dma_start3A_85 = arith.constant 4 : i32
    %dma_start3A_86 = arith.constant 0 : i32
    %dma_start3A_87 = arith.constant 0 : i32
    %dma_start3A_88 = tpu.memref_slice %arg6[%dma_start3A_86, %dma_start3A_87] : memref<512x128xf32, #tpu.memory_space<vmem>> -> memref<128x128xf32, #tpu.memory_space<vmem>>
    %dma_start3A_89 = arith.constant 0 : i32
    %dma_start3A_90 = tpu.memref_slice %arg5[%dma_start3A_85, %dma_start3A_89] : memref<8x128xi32, #tpu.memory_space<vmem>> -> memref<1x128xi32, #tpu.memory_space<vmem>>
    %dma_start3A_91 = tpu.memref_squeeze %dma_start3A_90 : memref<1x128xi32, #tpu.memory_space<vmem>> -> memref<128xi32, #tpu.memory_space<vmem>>
    %dma_start3A_92 = arith.constant 0 : i32
    %dma_start3A_93 = arith.constant 0 : i32
    %dma_start3A_94 = tpu.memref_slice %arg7[%dma_start3A_92, %dma_start3A_93] : memref<1024x128xf32, #tpu.memory_space<vmem_shared>> -> memref<1024x128xf32, #tpu.memory_space<vmem_shared>>
    tpu.enqueue_indirect_dma source(%dma_start3A_94 : memref<1024x128xf32, #tpu.memory_space<vmem_shared>>) target(%dma_start3A_88 : memref<128x128xf32, #tpu.memory_space<vmem>>) offsets(%dma_start3A_91 : memref<128xi32, #tpu.memory_space<vmem>>) semaphore(%arg8 : memref<!tpu.dma_semaphore, #tpu.memory_space<semaphore_mem>>)
    %dma_start3A_95 = arith.constant 5 : i32
    %dma_start3A_96 = arith.constant 128 : i32
    %dma_start3A_97 = arith.constant 0 : i32
    %dma_start3A_98 = tpu.memref_slice %arg6[%dma_start3A_96, %dma_start3A_97] : memref<512x128xf32, #tpu.memory_space<vmem>> -> memref<128x128xf32, #tpu.memory_space<vmem>>
    %dma_start3A_99 = arith.constant 0 : i32
    %dma_start3A_100 = tpu.memref_slice %arg5[%dma_start3A_95, %dma_start3A_99] : memref<8x128xi32, #tpu.memory_space<vmem>> -> memref<1x128xi32, #tpu.memory_space<vmem>>
    %dma_start3A_101 = tpu.memref_squeeze %dma_start3A_100 : memref<1x128xi32, #tpu.memory_space<vmem>> -> memref<128xi32, #tpu.memory_space<vmem>>
    %dma_start3A_102 = arith.constant 0 : i32
    %dma_start3A_103 = arith.constant 0 : i32
    %dma_start3A_104 = tpu.memref_slice %arg7[%dma_start3A_102, %dma_start3A_103] : memref<1024x128xf32, #tpu.memory_space<vmem_shared>> -> memref<1024x128xf32, #tpu.memory_space<vmem_shared>>
    tpu.enqueue_indirect_dma source(%dma_start3A_104 : memref<1024x128xf32, #tpu.memory_space<vmem_shared>>) target(%dma_start3A_98 : memref<128x128xf32, #tpu.memory_space<vmem>>) offsets(%dma_start3A_101 : memref<128xi32, #tpu.memory_space<vmem>>) semaphore(%arg8 : memref<!tpu.dma_semaphore, #tpu.memory_space<semaphore_mem>>)
    %dma_start3A_105 = arith.constant 6 : i32
    %dma_start3A_106 = arith.constant 256 : i32
    %dma_start3A_107 = arith.constant 0 : i32
    %dma_start3A_108 = tpu.memref_slice %arg6[%dma_start3A_106, %dma_start3A_107] : memref<512x128xf32, #tpu.memory_space<vmem>> -> memref<128x128xf32, #tpu.memory_space<vmem>>
    %dma_start3A_109 = arith.constant 0 : i32
    %dma_start3A_110 = tpu.memref_slice %arg5[%dma_start3A_105, %dma_start3A_109] : memref<8x128xi32, #tpu.memory_space<vmem>> -> memref<1x128xi32, #tpu.memory_space<vmem>>
    %dma_start3A_111 = tpu.memref_squeeze %dma_start3A_110 : memref<1x128xi32, #tpu.memory_space<vmem>> -> memref<128xi32, #tpu.memory_space<vmem>>
    %dma_start3A_112 = arith.constant 0 : i32
    %dma_start3A_113 = arith.constant 0 : i32
    %dma_start3A_114 = tpu.memref_slice %arg7[%dma_start3A_112, %dma_start3A_113] : memref<1024x128xf32, #tpu.memory_space<vmem_shared>> -> memref<1024x128xf32, #tpu.memory_space<vmem_shared>>
    tpu.enqueue_indirect_dma source(%dma_start3A_114 : memref<1024x128xf32, #tpu.memory_space<vmem_shared>>) target(%dma_start3A_108 : memref<128x128xf32, #tpu.memory_space<vmem>>) offsets(%dma_start3A_111 : memref<128xi32, #tpu.memory_space<vmem>>) semaphore(%arg8 : memref<!tpu.dma_semaphore, #tpu.memory_space<semaphore_mem>>)
    %dma_start3A_115 = arith.constant 7 : i32
    %dma_start3A_116 = arith.constant 384 : i32
    %dma_start3A_117 = arith.constant 0 : i32
    %dma_start3A_118 = tpu.memref_slice %arg6[%dma_start3A_116, %dma_start3A_117] : memref<512x128xf32, #tpu.memory_space<vmem>> -> memref<128x128xf32, #tpu.memory_space<vmem>>
    %dma_start3A_119 = arith.constant 0 : i32
    %dma_start3A_120 = tpu.memref_slice %arg5[%dma_start3A_115, %dma_start3A_119] : memref<8x128xi32, #tpu.memory_space<vmem>> -> memref<1x128xi32, #tpu.memory_space<vmem>>
    %dma_start3A_121 = tpu.memref_squeeze %dma_start3A_120 : memref<1x128xi32, #tpu.memory_space<vmem>> -> memref<128xi32, #tpu.memory_space<vmem>>
    %dma_start3A_122 = arith.constant 0 : i32
    %dma_start3A_123 = arith.constant 0 : i32
    %dma_start3A_124 = tpu.memref_slice %arg7[%dma_start3A_122, %dma_start3A_123] : memref<1024x128xf32, #tpu.memory_space<vmem_shared>> -> memref<1024x128xf32, #tpu.memory_space<vmem_shared>>
    tpu.enqueue_indirect_dma source(%dma_start3A_124 : memref<1024x128xf32, #tpu.memory_space<vmem_shared>>) target(%dma_start3A_118 : memref<128x128xf32, #tpu.memory_space<vmem>>) offsets(%dma_start3A_121 : memref<128xi32, #tpu.memory_space<vmem>>) semaphore(%arg8 : memref<!tpu.dma_semaphore, #tpu.memory_space<semaphore_mem>>)
    %dma_wait3A_125 = arith.constant 4 : i32
    %dma_wait3A_126 = arith.constant 0 : i32
    %dma_wait3A_127 = arith.constant 0 : i32
    %dma_wait3A_128 = tpu.memref_slice %arg6[%dma_wait3A_126, %dma_wait3A_127] : memref<512x128xf32, #tpu.memory_space<vmem>> -> memref<128x128xf32, #tpu.memory_space<vmem>>
    %dma_wait3A_129 = arith.constant 0 : i32
    %dma_wait3A_130 = tpu.memref_slice %arg5[%dma_wait3A_125, %dma_wait3A_129] : memref<8x128xi32, #tpu.memory_space<vmem>> -> memref<1x128xi32, #tpu.memory_space<vmem>>
    %dma_wait3A_131 = tpu.memref_squeeze %dma_wait3A_130 : memref<1x128xi32, #tpu.memory_space<vmem>> -> memref<128xi32, #tpu.memory_space<vmem>>
    %dma_wait3A_132 = arith.constant 0 : i32
    %dma_wait3A_133 = arith.constant 0 : i32
    %dma_wait3A_134 = tpu.memref_slice %arg7[%dma_wait3A_132, %dma_wait3A_133] : memref<1024x128xf32, #tpu.memory_space<vmem_shared>> -> memref<1024x128xf32, #tpu.memory_space<vmem_shared>>
    tpu.wait_indirect_dma semaphore(%arg8 : memref<!tpu.dma_semaphore, #tpu.memory_space<semaphore_mem>>) src(%dma_wait3A_134 : memref<1024x128xf32, #tpu.memory_space<vmem_shared>>) dst(%dma_wait3A_128 : memref<128x128xf32, #tpu.memory_space<vmem>>)
    %dma_wait3A_135 = arith.constant 5 : i32
    %dma_wait3A_136 = arith.constant 128 : i32
    %dma_wait3A_137 = arith.constant 0 : i32
    %dma_wait3A_138 = tpu.memref_slice %arg6[%dma_wait3A_136, %dma_wait3A_137] : memref<512x128xf32, #tpu.memory_space<vmem>> -> memref<128x128xf32, #tpu.memory_space<vmem>>
    %dma_wait3A_139 = arith.constant 0 : i32
    %dma_wait3A_140 = tpu.memref_slice %arg5[%dma_wait3A_135, %dma_wait3A_139] : memref<8x128xi32, #tpu.memory_space<vmem>> -> memref<1x128xi32, #tpu.memory_space<vmem>>
    %dma_wait3A_141 = tpu.memref_squeeze %dma_wait3A_140 : memref<1x128xi32, #tpu.memory_space<vmem>> -> memref<128xi32, #tpu.memory_space<vmem>>
    %dma_wait3A_142 = arith.constant 0 : i32
    %dma_wait3A_143 = arith.constant 0 : i32
    %dma_wait3A_144 = tpu.memref_slice %arg7[%dma_wait3A_142, %dma_wait3A_143] : memref<1024x128xf32, #tpu.memory_space<vmem_shared>> -> memref<1024x128xf32, #tpu.memory_space<vmem_shared>>
    tpu.wait_indirect_dma semaphore(%arg8 : memref<!tpu.dma_semaphore, #tpu.memory_space<semaphore_mem>>) src(%dma_wait3A_144 : memref<1024x128xf32, #tpu.memory_space<vmem_shared>>) dst(%dma_wait3A_138 : memref<128x128xf32, #tpu.memory_space<vmem>>)
    %dma_wait3A_145 = arith.constant 6 : i32
    %dma_wait3A_146 = arith.constant 256 : i32
    %dma_wait3A_147 = arith.constant 0 : i32
    %dma_wait3A_148 = tpu.memref_slice %arg6[%dma_wait3A_146, %dma_wait3A_147] : memref<512x128xf32, #tpu.memory_space<vmem>> -> memref<128x128xf32, #tpu.memory_space<vmem>>
    %dma_wait3A_149 = arith.constant 0 : i32
    %dma_wait3A_150 = tpu.memref_slice %arg5[%dma_wait3A_145, %dma_wait3A_149] : memref<8x128xi32, #tpu.memory_space<vmem>> -> memref<1x128xi32, #tpu.memory_space<vmem>>
    %dma_wait3A_151 = tpu.memref_squeeze %dma_wait3A_150 : memref<1x128xi32, #tpu.memory_space<vmem>> -> memref<128xi32, #tpu.memory_space<vmem>>
    %dma_wait3A_152 = arith.constant 0 : i32
    %dma_wait3A_153 = arith.constant 0 : i32
    %dma_wait3A_154 = tpu.memref_slice %arg7[%dma_wait3A_152, %dma_wait3A_153] : memref<1024x128xf32, #tpu.memory_space<vmem_shared>> -> memref<1024x128xf32, #tpu.memory_space<vmem_shared>>
    tpu.wait_indirect_dma semaphore(%arg8 : memref<!tpu.dma_semaphore, #tpu.memory_space<semaphore_mem>>) src(%dma_wait3A_154 : memref<1024x128xf32, #tpu.memory_space<vmem_shared>>) dst(%dma_wait3A_148 : memref<128x128xf32, #tpu.memory_space<vmem>>)
    %dma_wait3A_155 = arith.constant 7 : i32
    %dma_wait3A_156 = arith.constant 384 : i32
    %dma_wait3A_157 = arith.constant 0 : i32
    %dma_wait3A_158 = tpu.memref_slice %arg6[%dma_wait3A_156, %dma_wait3A_157] : memref<512x128xf32, #tpu.memory_space<vmem>> -> memref<128x128xf32, #tpu.memory_space<vmem>>
    %dma_wait3A_159 = arith.constant 0 : i32
    %dma_wait3A_160 = tpu.memref_slice %arg5[%dma_wait3A_155, %dma_wait3A_159] : memref<8x128xi32, #tpu.memory_space<vmem>> -> memref<1x128xi32, #tpu.memory_space<vmem>>
    %dma_wait3A_161 = tpu.memref_squeeze %dma_wait3A_160 : memref<1x128xi32, #tpu.memory_space<vmem>> -> memref<128xi32, #tpu.memory_space<vmem>>
    %dma_wait3A_162 = arith.constant 0 : i32
    %dma_wait3A_163 = arith.constant 0 : i32
    %dma_wait3A_164 = tpu.memref_slice %arg7[%dma_wait3A_162, %dma_wait3A_163] : memref<1024x128xf32, #tpu.memory_space<vmem_shared>> -> memref<1024x128xf32, #tpu.memory_space<vmem_shared>>
    tpu.wait_indirect_dma semaphore(%arg8 : memref<!tpu.dma_semaphore, #tpu.memory_space<semaphore_mem>>) src(%dma_wait3A_164 : memref<1024x128xf32, #tpu.memory_space<vmem_shared>>) dst(%dma_wait3A_158 : memref<128x128xf32, #tpu.memory_space<vmem>>)
    %add3A_165 = arith.constant 512 : i32
    %add3A_166 = arith.addi %mul3A_2, %add3A_165 : i32
    "tpu.region"() ({
      %run_scoped3A = tpu.sem_alloc : memref<!tpu.dma_semaphore, #tpu.memory_space<semaphore_mem>>
      %dma_start3A_167 = arith.constant 0 : i32
      %dma_start3A_168 = tpu.memref_slice %arg4[%add3A_166, %dma_start3A_167] : memref<32768x128xf32, #tpu.memory_space<hbm>> -> memref<512x128xf32, #tpu.memory_space<hbm>>
      %dma_start3A_169 = arith.constant 0 : i32
      %dma_start3A_170 = tpu.memref_slice %arg4[%add3A_166, %dma_start3A_169] : memref<32768x128xf32, #tpu.memory_space<hbm>> -> memref<512x128xf32, #tpu.memory_space<hbm>>
      tpu.enqueue_dma source(%arg6 : memref<512x128xf32, #tpu.memory_space<vmem>>) target(%dma_start3A_170 : memref<512x128xf32, #tpu.memory_space<hbm>>) target_semaphore(%run_scoped3A : memref<!tpu.dma_semaphore, #tpu.memory_space<semaphore_mem>>)
      %dma_wait3A_171 = arith.constant 0 : i32
      %dma_wait3A_172 = tpu.memref_slice %arg4[%add3A_166, %dma_wait3A_171] : memref<32768x128xf32, #tpu.memory_space<hbm>> -> memref<512x128xf32, #tpu.memory_space<hbm>>
      %dma_wait3A_173 = arith.constant 0 : i32
      %dma_wait3A_174 = tpu.memref_slice %arg4[%add3A_166, %dma_wait3A_173] : memref<32768x128xf32, #tpu.memory_space<hbm>> -> memref<512x128xf32, #tpu.memory_space<hbm>>
      tpu.wait_dma2 semaphore(%run_scoped3A : memref<!tpu.dma_semaphore, #tpu.memory_space<semaphore_mem>>) src(%arg6 : memref<512x128xf32, #tpu.memory_space<vmem>>) dst(%dma_wait3A_174 : memref<512x128xf32, #tpu.memory_space<hbm>>)
      tpu.yield
    }) : () -> ()
    return
  }
}

module attributes {stable_mosaic.version = 14 : i64} {
  func.func @_dist_argmin_body(%arg0: i32, %arg1: i32, %arg2: memref<1x128x2048xf32, #tpu.memory_space<vmem>>, %arg3: memref<64x128xf32, #tpu.memory_space<vmem>>, %arg4: memref<64x1xf32, #tpu.memory_space<vmem>>, %arg5: memref<1024x64xf32, #tpu.memory_space<vmem>>, %arg6: memref<1x1x2048xi32, #tpu.memory_space<vmem>>, %arg7: memref<1x1xf32, #tpu.memory_space<vmem>>) attributes {dimension_semantics = [#tpu.dimension_semantics<arbitrary>, #tpu.dimension_semantics<arbitrary>], iteration_bounds = array<i64: 8, 2>, scalar_prefetch = 0 : i64, scratch_operands = 0 : i64, tpu.core_type = #tpu.core_type<tc>, window_params = [{transform_indices = @transform_0, window_bounds = array<i64: 1, 128, 2048>}, {pipeline_mode = #tpu.pipeline_mode<synchronous>, transform_indices = @transform_1, window_bounds = array<i64: 64, 128>}, {pipeline_mode = #tpu.pipeline_mode<synchronous>, transform_indices = @transform_2, window_bounds = array<i64: 64, 1>}, {pipeline_mode = #tpu.pipeline_mode<synchronous>, transform_indices = @transform_3, window_bounds = array<i64: 1024, 64>}, {transform_indices = @transform_4, window_bounds = array<i64: 1, 1, 2048>}, {pipeline_mode = #tpu.pipeline_mode<synchronous>, transform_indices = @transform_5, window_bounds = array<i64: 1, 1>}]} {
    %eq3A = arith.constant 0 : i32
    %eq3A_0 = arith.cmpi eq, %arg0, %eq3A : i32
    %eq3A_1 = arith.constant 0 : i32
    %eq3A_2 = arith.cmpi eq, %arg1, %eq3A_1 : i32
    %and3A = arith.andi %eq3A_0, %eq3A_2 : i1
    %get3A = arith.constant 0 : index
    %get3A_3 = arith.constant 0 : index
    %get3A_4 = arith.constant 0 : index
    %get3A_5 = vector.load %arg2[%get3A, %get3A_3, %get3A_4] : memref<1x128x2048xf32, #tpu.memory_space<vmem>>, vector<1x128x2048xf32>
    %get3A_6 = vector.shape_cast %get3A_5 : vector<1x128x2048xf32> to vector<128x2048xf32>
    %get3A_7 = arith.constant 0 : index
    %get3A_8 = arith.constant 0 : index
    %get3A_9 = vector.load %arg3[%get3A_7, %get3A_8] : memref<64x128xf32, #tpu.memory_space<vmem>>, vector<64x128xf32>
    %dot_general3A = arith.constant dense<0.000000e+00> : vector<64x2048xf32>
    %dot_general3A_10 = tpu.matmul %get3A_9, %get3A_6, %dot_general3A {dimension_numbers = #tpu.dot_dimension_numbers<[1], [0], [0], [1], [0, 0, 1, 1], [], []>, transpose_lhs_hint = false} : vector<64x128xf32>, vector<128x2048xf32>, vector<64x2048xf32> -> vector<64x2048xf32>
    %get3A_11 = arith.constant 0 : index
    %get3A_12 = arith.constant 0 : index
    %get3A_13 = vector.load %arg4[%get3A_11, %get3A_12] : memref<64x1xf32, #tpu.memory_space<vmem>>, vector<64x1xf32>
    %add3A = vector.broadcast %get3A_13 : vector<64x1xf32> to vector<64x2048xf32>
    %add3A_14 = arith.addf %dot_general3A_10, %add3A : vector<64x2048xf32>
    %mul3A = arith.mulf %add3A_14, %add3A_14 : vector<64x2048xf32>
    %reduce_sum3A = arith.constant dense<0.000000e+00> : vector<2048xf32>
    %reduce_sum3A_15 = vector.multi_reduction <add>, %mul3A, %reduce_sum3A [0] : vector<64x2048xf32> to vector<2048xf32>
    %broadcast_in_dim3A = vector.shape_cast %reduce_sum3A_15 : vector<2048xf32> to vector<1x2048xf32>
    %get3A_16 = arith.constant 0 : index
    %get3A_17 = arith.constant 0 : index
    %get3A_18 = vector.load %arg5[%get3A_16, %get3A_17] : memref<1024x64xf32, #tpu.memory_space<vmem>>, vector<1024x64xf32>
    %mul3A_19 = arith.mulf %get3A_18, %get3A_18 : vector<1024x64xf32>
    %reduce_sum3A_20 = arith.constant dense<0.000000e+00> : vector<1024xf32>
    %reduce_sum3A_21 = vector.multi_reduction <add>, %mul3A_19, %reduce_sum3A_20 [1] : vector<1024x64xf32> to vector<1024xf32>
    %broadcast_in_dim3A_22 = vector.shape_cast %reduce_sum3A_21 : vector<1024xf32> to vector<1024x1xf32>
    %add3A_23 = arith.addf %add3A_14, %add3A_14 : vector<64x2048xf32>
    %dot_general3A_24 = arith.constant dense<0.000000e+00> : vector<1024x2048xf32>
    %dot_general3A_25 = tpu.matmul %get3A_18, %add3A_23, %dot_general3A_24 {dimension_numbers = #tpu.dot_dimension_numbers<[1], [0], [0], [1], [0, 0, 1, 1], [], []>, transpose_lhs_hint = false} : vector<1024x64xf32>, vector<64x2048xf32>, vector<1024x2048xf32> -> vector<1024x2048xf32>
    %sub3A = vector.broadcast %broadcast_in_dim3A_22 : vector<1024x1xf32> to vector<1024x2048xf32>
    %sub3A_26 = arith.subf %sub3A, %dot_general3A_25 : vector<1024x2048xf32>
    %reduce_min3A = arith.constant dense<0x7F800000> : vector<2048xf32>
    %reduce_min3A_27 = vector.multi_reduction <minimumf>, %sub3A_26, %reduce_min3A [0] : vector<1024x2048xf32> to vector<2048xf32>
    %broadcast_in_dim3A_28 = vector.shape_cast %reduce_min3A_27 : vector<2048xf32> to vector<1x2048xf32>
    %iota3A = tpu.iota {dimensions = array<i32: 0>} : vector<1024x2048xi32>
    %eq3A_29 = vector.broadcast %broadcast_in_dim3A_28 : vector<1x2048xf32> to vector<1024x2048xf32>
    %eq3A_30 = arith.cmpf oeq, %sub3A_26, %eq3A_29 : vector<1024x2048xf32>
    %jit3A = arith.constant 1073741824 : i32
    %broadcast_in_dim3A_31 = vector.broadcast %jit3A : i32 to vector<1024x2048xi32>
    %select_n3A = arith.select %eq3A_30, %iota3A, %broadcast_in_dim3A_31 : vector<1024x2048xi1>, vector<1024x2048xi32>
    %reduce_min3A_32 = arith.constant dense<2147483647> : vector<2048xi32>
    %reduce_min3A_33 = vector.multi_reduction <minsi>, %select_n3A, %reduce_min3A_32 [0] : vector<1024x2048xi32> to vector<2048xi32>
    %reshape3A = vector.shape_cast %reduce_min3A_33 : vector<2048xi32> to vector<1x1x2048xi32>
    %swap3A = arith.constant 0 : index
    %swap3A_34 = arith.constant 0 : index
    %swap3A_35 = arith.constant 0 : index
    %swap3A_36 = vector.load %arg6[%swap3A, %swap3A_34, %swap3A_35] : memref<1x1x2048xi32, #tpu.memory_space<vmem>>, vector<1x1x2048xi32>
    tpu.vector_store %arg6[%swap3A, %swap3A_34, %swap3A_35], %reshape3A {strides = array<i32>} : memref<1x1x2048xi32, #tpu.memory_space<vmem>>, vector<1x1x2048xi32>,
    %convert_element_type3A = arith.extui %and3A : i1 to i32
    %cond3A = arith.constant 0 : i32
    %cond3A_37 = arith.cmpi ne, %convert_element_type3A, %cond3A : i32
    scf.if %cond3A_37 {
      %broadcast_in_dim3A_57 = arith.constant 0.000000e+00 : f32
      %broadcast_in_dim3A_58 = vector.broadcast %broadcast_in_dim3A_57 : f32 to vector<1x1xf32>
      %swap3A_59 = arith.constant 0 : index
      %swap3A_60 = arith.constant 0 : index
      %swap3A_61 = vector.load %arg7[%swap3A_59, %swap3A_60] : memref<1x1xf32, #tpu.memory_space<vmem>>, vector<1x1xf32>
      tpu.vector_store %arg7[%swap3A_59, %swap3A_60], %broadcast_in_dim3A_58 {strides = array<i32>} : memref<1x1xf32, #tpu.memory_space<vmem>>, vector<1x1xf32>,
    } else {
    }
    %get3A_38 = arith.constant 0 : index
    %get3A_39 = arith.constant 0 : index
    %get3A_40 = vector.load %arg7[%get3A_38, %get3A_39] : memref<1x1xf32, #tpu.memory_space<vmem>>, vector<1x1xf32>
    %reduce_sum3A_41 = vector.shape_cast %broadcast_in_dim3A_28 : vector<1x2048xf32> to vector<1x1x2048xf32>
    %reduce_sum3A_42 = arith.constant dense<0.000000e+00> : vector<1xf32>
    %reduce_sum3A_43 = vector.multi_reduction <add>, %reduce_sum3A_41, %reduce_sum3A_42 [1, 2] : vector<1x1x2048xf32> to vector<1xf32>
    %reduce_sum3A_44 = vector.shape_cast %reduce_sum3A_43 : vector<1xf32> to vector<1x1x1xf32>
    %reduce_sum3A_45 = vector.extract %reduce_sum3A_44[0, 0, 0] : f32 from vector<1x1x1xf32>
    %reduce_sum3A_46 = vector.shape_cast %broadcast_in_dim3A : vector<1x2048xf32> to vector<1x1x2048xf32>
    %reduce_sum3A_47 = arith.constant dense<0.000000e+00> : vector<1xf32>
    %reduce_sum3A_48 = vector.multi_reduction <add>, %reduce_sum3A_46, %reduce_sum3A_47 [1, 2] : vector<1x1x2048xf32> to vector<1xf32>
    %reduce_sum3A_49 = vector.shape_cast %reduce_sum3A_48 : vector<1xf32> to vector<1x1x1xf32>
    %reduce_sum3A_50 = vector.extract %reduce_sum3A_49[0, 0, 0] : f32 from vector<1x1x1xf32>
    %add3A_51 = arith.addf %reduce_sum3A_45, %reduce_sum3A_50 : f32
    %reshape3A_52 = vector.broadcast %add3A_51 : f32 to vector<1x1xf32>
    %add3A_53 = arith.addf %get3A_40, %reshape3A_52 : vector<1x1xf32>
    %swap3A_54 = arith.constant 0 : index
    %swap3A_55 = arith.constant 0 : index
    %swap3A_56 = vector.load %arg7[%swap3A_54, %swap3A_55] : memref<1x1xf32, #tpu.memory_space<vmem>>, vector<1x1xf32>
    tpu.vector_store %arg7[%swap3A_54, %swap3A_55], %add3A_53 {strides = array<i32>} : memref<1x1xf32, #tpu.memory_space<vmem>>, vector<1x1xf32>,
    return
  }
  func.func @transform_0(%arg0: i32, %arg1: i32) -> (i32, i32, i32) {
    %c0_i32 = arith.constant 0 : i32
    %c0_i32_0 = arith.constant 0 : i32
    return %arg0, %c0_i32, %arg1 : i32, i32, i32
  }
  func.func @transform_1(%arg0: i32, %arg1: i32) -> (i32, i32) {
    %c0_i32 = arith.constant 0 : i32
    %c0_i32_0 = arith.constant 0 : i32
    %c0_i32_1 = arith.constant 0 : i32
    return %c0_i32, %c0_i32_0 : i32, i32
  }
  func.func @transform_2(%arg0: i32, %arg1: i32) -> (i32, i32) {
    %c0_i32 = arith.constant 0 : i32
    %c0_i32_0 = arith.constant 0 : i32
    %c0_i32_1 = arith.constant 0 : i32
    return %c0_i32, %c0_i32_0 : i32, i32
  }
  func.func @transform_3(%arg0: i32, %arg1: i32) -> (i32, i32) {
    %c0_i32 = arith.constant 0 : i32
    %c0_i32_0 = arith.constant 0 : i32
    %c0_i32_1 = arith.constant 0 : i32
    return %c0_i32, %c0_i32_0 : i32, i32
  }
  func.func @transform_4(%arg0: i32, %arg1: i32) -> (i32, i32, i32) {
    %mul3A = arith.constant 2 : i32
    %mul3A_0 = arith.muli %arg0, %mul3A : i32
    %add3A = arith.addi %mul3A_0, %arg1 : i32
    %c0_i32 = arith.constant 0 : i32
    %c0_i32_1 = arith.constant 0 : i32
    %c0_i32_2 = arith.constant 0 : i32
    return %add3A, %c0_i32, %c0_i32_1 : i32, i32, i32
  }
  func.func @transform_5(%arg0: i32, %arg1: i32) -> (i32, i32) {
    %c0_i32 = arith.constant 0 : i32
    %c0_i32_0 = arith.constant 0 : i32
    %c0_i32_1 = arith.constant 0 : i32
    return %c0_i32, %c0_i32_0 : i32, i32
  }
}

module attributes {stable_mosaic.version = 14 : i64} {
  func.func @_conv2_body(%arg0: i32, %arg1: memref<2x4096x128xf32, #tpu.memory_space<vmem>>, %arg2: memref<9x128x64xbf16, #tpu.memory_space<vmem>>, %arg3: memref<128x1xf32, #tpu.memory_space<vmem>>, %arg4: memref<1x1x8192xi32, #tpu.memory_space<vmem>>, %arg5: memref<1x1xf32, #tpu.memory_space<vmem>>, %arg6: memref<2x64x4096xf32, #tpu.memory_space<vmem>>, %arg7: memref<2x128x4096xf32, #tpu.memory_space<vmem>>, %arg8: memref<1x1xf32, #tpu.memory_space<vmem>>, %arg9: memref<1x1xf32, #tpu.memory_space<vmem>>, %arg10: memref<64x4240xbf16, #tpu.memory_space<vmem>>, %arg11: memref<8x128xf32, #tpu.memory_space<vmem>>) attributes {dimension_semantics = [#tpu.dimension_semantics<arbitrary>], iteration_bounds = array<i64: 4>, scalar_prefetch = 0 : i64, scratch_operands = 2 : i64, tpu.core_type = #tpu.core_type<tc>, window_params = [{transform_indices = @transform_0, window_bounds = array<i64: 2, 4096, 128>}, {pipeline_mode = #tpu.pipeline_mode<synchronous>, transform_indices = @transform_1, window_bounds = array<i64: 9, 128, 64>}, {pipeline_mode = #tpu.pipeline_mode<synchronous>, transform_indices = @transform_2, window_bounds = array<i64: 128, 1>}, {transform_indices = @transform_3, window_bounds = array<i64: 1, 1, 8192>}, {pipeline_mode = #tpu.pipeline_mode<synchronous>, transform_indices = @transform_4, window_bounds = array<i64: 1, 1>}, {transform_indices = @transform_5, window_bounds = array<i64: 2, 64, 4096>}, {transform_indices = @transform_6, window_bounds = array<i64: 2, 128, 4096>}, {pipeline_mode = #tpu.pipeline_mode<synchronous>, transform_indices = @transform_7, window_bounds = array<i64: 1, 1>}, {pipeline_mode = #tpu.pipeline_mode<synchronous>, transform_indices = @transform_8, window_bounds = array<i64: 1, 1>}]} {
    %iota3A = tpu.iota {dimensions = array<i32: 1>} : vector<1x4096xi32>
    %jit3A = arith.constant 64 : i32
    %eq3A = arith.constant 0 : i32
    %eq3A_0 = arith.cmpi eq, %jit3A, %eq3A : i32
    %jit3A_1 = arith.constant 1 : i32
    %select_n3A = arith.select %eq3A_0, %jit3A_1, %jit3A : i32
    %rem3A = vector.broadcast %select_n3A : i32 to vector<1x4096xi32>
    %rem3A_2 = arith.remsi %iota3A, %rem3A : vector<1x4096xi32>
    %ne3A = arith.constant 0 : i32
    %ne3A_3 = vector.broadcast %ne3A : i32 to vector<1x4096xi32>
    %ne3A_4 = arith.cmpi ne, %rem3A_2, %ne3A_3 : vector<1x4096xi32>
    %lt3A = arith.constant 0 : i32
    %lt3A_5 = vector.broadcast %lt3A : i32 to vector<1x4096xi32>
    %lt3A_6 = arith.cmpi slt, %rem3A_2, %lt3A_5 : vector<1x4096xi32>
    %lt3A_7 = arith.constant 0 : i32
    %lt3A_8 = arith.cmpi slt, %select_n3A, %lt3A_7 : i32
    %ne3A_9 = vector.broadcast %lt3A_8 : i1 to vector<1x4096xi1>
    %ne3A_10 = vector.broadcast %ne3A_9 : vector<1x4096xi1> to vector<1x4096xi1>
    %ne3A_11 = arith.xori %lt3A_6, %ne3A_10 : vector<1x4096xi1>
    %and3A = arith.andi %ne3A_11, %ne3A_4 : vector<1x4096xi1>
    %add3A = vector.broadcast %select_n3A : i32 to vector<1x4096xi32>
    %add3A_12 = arith.addi %rem3A_2, %add3A : vector<1x4096xi32>
    %select_n3A_13 = arith.select %and3A, %add3A_12, %rem3A_2 : vector<1x4096xi1>, vector<1x4096xi32>
    %ge3A = arith.constant 1 : i32
    %ge3A_14 = vector.broadcast %ge3A : i32 to vector<1x4096xi32>
    %ge3A_15 = arith.cmpi sge, %select_n3A_13, %ge3A_14 : vector<1x4096xi32>
    %jit3A_16 = arith.constant 1.000000e+00 : f32
    %jit3A_17 = arith.constant 0.000000e+00 : f32
    %broadcast_in_dim3A = vector.broadcast %jit3A_16 : f32 to vector<1x4096xf32>
    %broadcast_in_dim3A_18 = vector.broadcast %jit3A_17 : f32 to vector<1x4096xf32>
    %select_n3A_19 = arith.select %ge3A_15, %broadcast_in_dim3A, %broadcast_in_dim3A_18 : vector<1x4096xi1>, vector<1x4096xf32>
    %convert_element_type3A = arith.truncf %select_n3A_19 : vector<1x4096xf32> to vector<1x4096xbf16>
    %le3A = arith.constant 62 : i32
    %le3A_20 = vector.broadcast %le3A : i32 to vector<1x4096xi32>
    %le3A_21 = arith.cmpi sle, %select_n3A_13, %le3A_20 : vector<1x4096xi32>
    %jit3A_22 = arith.constant 1.000000e+00 : f32
    %jit3A_23 = arith.constant 0.000000e+00 : f32
    %broadcast_in_dim3A_24 = vector.broadcast %jit3A_22 : f32 to vector<1x4096xf32>
    %broadcast_in_dim3A_25 = vector.broadcast %jit3A_23 : f32 to vector<1x4096xf32>
    %select_n3A_26 = arith.select %le3A_21, %broadcast_in_dim3A_24, %broadcast_in_dim3A_25 : vector<1x4096xi1>, vector<1x4096xf32>
    %convert_element_type3A_27 = arith.truncf %select_n3A_26 : vector<1x4096xf32> to vector<1x4096xbf16>
    %get3A = arith.constant 0 : index
    %get3A_28 = arith.constant 0 : index
    %get3A_29 = arith.constant 0 : index
    %get3A_30 = vector.load %arg1[%get3A, %get3A_28, %get3A_29] : memref<2x4096x128xf32, #tpu.memory_space<vmem>>, vector<1x4096x128xf32>
    %get3A_31 = vector.shape_cast %get3A_30 : vector<1x4096x128xf32> to vector<4096x128xf32>
    %slice3A = vector.extract_strided_slice %get3A_31 {offsets = [0, 0], sizes = [4096, 64], strides = [1, 1]} : vector<4096x128xf32> to vector<4096x64xf32>
    %transpose3A = tpu.transpose %slice3A, [1, 0] : vector<4096x64xf32> -> vector<64x4096xf32>
    %swap3A = arith.constant 0 : index
    %swap3A_32 = arith.constant 0 : index
    %swap3A_33 = arith.constant 0 : index
    %swap3A_34 = vector.load %arg6[%swap3A, %swap3A_32, %swap3A_33] : memref<2x64x4096xf32, #tpu.memory_space<vmem>>, vector<1x64x4096xf32>
    %swap3A_35 = vector.shape_cast %swap3A_34 : vector<1x64x4096xf32> to vector<64x4096xf32>
    %swap3A_36 = vector.shape_cast %transpose3A : vector<64x4096xf32> to vector<1x64x4096xf32>
    tpu.vector_store %arg6[%swap3A, %swap3A_32, %swap3A_33], %swap3A_36 {strides = array<i32>} : memref<2x64x4096xf32, #tpu.memory_space<vmem>>, vector<1x64x4096xf32>,
    %broadcast_in_dim3A_37 = arith.constant 0.000000e+00 : bf16
    %broadcast_in_dim3A_38 = vector.broadcast %broadcast_in_dim3A_37 : bf16 to vector<64x4240xbf16>
    %swap3A_39 = arith.constant 0 : index
    %swap3A_40 = arith.constant 0 : index
    %swap3A_41 = vector.load %arg10[%swap3A_39, %swap3A_40] : memref<64x4240xbf16, #tpu.memory_space<vmem>>, vector<64x4240xbf16>
    tpu.vector_store %arg10[%swap3A_39, %swap3A_40], %broadcast_in_dim3A_38 {strides = array<i32>} : memref<64x4240xbf16, #tpu.memory_space<vmem>>, vector<64x4240xbf16>,
    %convert_element_type3A_42 = arith.truncf %transpose3A : vector<64x4096xf32> to vector<64x4096xbf16>
    %swap3A_43 = arith.constant 0 : index
    %swap3A_44 = arith.constant 72 : index
    %swap3A_45 = vector.load %arg10[%swap3A_43, %swap3A_44] : memref<64x4240xbf16, #tpu.memory_space<vmem>>, vector<64x4096xbf16>
    tpu.vector_store %arg10[%swap3A_43, %swap3A_44], %convert_element_type3A_42 {strides = array<i32>} : memref<64x4240xbf16, #tpu.memory_space<vmem>>, vector<64x4096xbf16>,
    %get3A_46 = arith.constant 0 : index
    %get3A_47 = arith.constant 0 : index
    %get3A_48 = vector.load %arg3[%get3A_46, %get3A_47] : memref<128x1xf32, #tpu.memory_space<vmem>>, vector<128x1xf32>
    %broadcast_in_dim3A_49 = vector.shape_cast %get3A_48 : vector<128x1xf32> to vector<128x1xf32>
    %broadcast_in_dim3A_50 = vector.broadcast %broadcast_in_dim3A_49 : vector<128x1xf32> to vector<128x4096xf32>
    %get3A_51 = arith.constant 0 : index
    %get3A_52 = arith.constant 7 : index
    %get3A_53 = vector.load %arg10[%get3A_51, %get3A_52] : memref<64x4240xbf16, #tpu.memory_space<vmem>>, vector<64x4096xbf16>
    %mul3A = vector.broadcast %convert_element_type3A : vector<1x4096xbf16> to vector<64x4096xbf16>
    %mul3A_54 = arith.mulf %get3A_53, %mul3A : vector<64x4096xbf16>
    %get3A_55 = arith.constant 0 : index
    %get3A_56 = arith.constant 0 : index
    %get3A_57 = arith.constant 0 : index
    %get3A_58 = vector.load %arg2[%get3A_55, %get3A_56, %get3A_57] : memref<9x128x64xbf16, #tpu.memory_space<vmem>>, vector<1x128x64xbf16>
    %get3A_59 = vector.shape_cast %get3A_58 : vector<1x128x64xbf16> to vector<128x64xbf16>
    %dot_general3A = arith.constant dense<0.000000e+00> : vector<128x4096xf32>
    %dot_general3A_60 = tpu.matmul %get3A_59, %mul3A_54, %dot_general3A {dimension_numbers = #tpu.dot_dimension_numbers<[1], [0], [0], [1], [0, 0, 1, 1], [], []>, transpose_lhs_hint = false} : vector<128x64xbf16>, vector<64x4096xbf16>, vector<128x4096xf32> -> vector<128x4096xf32>
    %add3A_61 = arith.addf %broadcast_in_dim3A_50, %dot_general3A_60 : vector<128x4096xf32>
    %get3A_62 = arith.constant 0 : index
    %get3A_63 = arith.constant 8 : index
    %get3A_64 = vector.load %arg10[%get3A_62, %get3A_63] : memref<64x4240xbf16, #tpu.memory_space<vmem>>, vector<64x4096xbf16>
    %get3A_65 = arith.constant 1 : index
    %get3A_66 = arith.constant 0 : index
    %get3A_67 = arith.constant 0 : index
    %get3A_68 = vector.load %arg2[%get3A_65, %get3A_66, %get3A_67] : memref<9x128x64xbf16, #tpu.memory_space<vmem>>, vector<1x128x64xbf16>
    %get3A_69 = vector.shape_cast %get3A_68 : vector<1x128x64xbf16> to vector<128x64xbf16>
    %dot_general3A_70 = arith.constant dense<0.000000e+00> : vector<128x4096xf32>
    %dot_general3A_71 = tpu.matmul %get3A_69, %get3A_64, %dot_general3A_70 {dimension_numbers = #tpu.dot_dimension_numbers<[1], [0], [0], [1], [0, 0, 1, 1], [], []>, transpose_lhs_hint = false} : vector<128x64xbf16>, vector<64x4096xbf16>, vector<128x4096xf32> -> vector<128x4096xf32>
    %add3A_72 = arith.addf %add3A_61, %dot_general3A_71 : vector<128x4096xf32>
    %get3A_73 = arith.constant 0 : index
    %get3A_74 = arith.constant 9 : index
    %get3A_75 = vector.load %arg10[%get3A_73, %get3A_74] : memref<64x4240xbf16, #tpu.memory_space<vmem>>, vector<64x4096xbf16>
    %mul3A_76 = vector.broadcast %convert_element_type3A_27 : vector<1x4096xbf16> to vector<64x4096xbf16>
    %mul3A_77 = arith.mulf %get3A_75, %mul3A_76 : vector<64x4096xbf16>
    %get3A_78 = arith.constant 2 : index
    %get3A_79 = arith.constant 0 : index
    %get3A_80 = arith.constant 0 : index
    %get3A_81 = vector.load %arg2[%get3A_78, %get3A_79, %get3A_80] : memref<9x128x64xbf16, #tpu.memory_space<vmem>>, vector<1x128x64xbf16>
    %get3A_82 = vector.shape_cast %get3A_81 : vector<1x128x64xbf16> to vector<128x64xbf16>
    %dot_general3A_83 = arith.constant dense<0.000000e+00> : vector<128x4096xf32>
    %dot_general3A_84 = tpu.matmul %get3A_82, %mul3A_77, %dot_general3A_83 {dimension_numbers = #tpu.dot_dimension_numbers<[1], [0], [0], [1], [0, 0, 1, 1], [], []>, transpose_lhs_hint = false} : vector<128x64xbf16>, vector<64x4096xbf16>, vector<128x4096xf32> -> vector<128x4096xf32>
    %add3A_85 = arith.addf %add3A_72, %dot_general3A_84 : vector<128x4096xf32>
    %get3A_86 = arith.constant 0 : index
    %get3A_87 = arith.constant 71 : index
    %get3A_88 = vector.load %arg10[%get3A_86, %get3A_87] : memref<64x4240xbf16, #tpu.memory_space<vmem>>, vector<64x4096xbf16>
    %mul3A_89 = vector.broadcast %convert_element_type3A : vector<1x4096xbf16> to vector<64x4096xbf16>
    %mul3A_90 = arith.mulf %get3A_88, %mul3A_89 : vector<64x4096xbf16>
    %get3A_91 = arith.constant 3 : index
    %get3A_92 = arith.constant 0 : index
    %get3A_93 = arith.constant 0 : index
    %get3A_94 = vector.load %arg2[%get3A_91, %get3A_92, %get3A_93] : memref<9x128x64xbf16, #tpu.memory_space<vmem>>, vector<1x128x64xbf16>
    %get3A_95 = vector.shape_cast %get3A_94 : vector<1x128x64xbf16> to vector<128x64xbf16>
    %dot_general3A_96 = arith.constant dense<0.000000e+00> : vector<128x4096xf32>
    %dot_general3A_97 = tpu.matmul %get3A_95, %mul3A_90, %dot_general3A_96 {dimension_numbers = #tpu.dot_dimension_numbers<[1], [0], [0], [1], [0, 0, 1, 1], [], []>, transpose_lhs_hint = false} : vector<128x64xbf16>, vector<64x4096xbf16>, vector<128x4096xf32> -> vector<128x4096xf32>
    %add3A_98 = arith.addf %add3A_85, %dot_general3A_97 : vector<128x4096xf32>
    %get3A_99 = arith.constant 0 : index
    %get3A_100 = arith.constant 72 : index
    %get3A_101 = vector.load %arg10[%get3A_99, %get3A_100] : memref<64x4240xbf16, #tpu.memory_space<vmem>>, vector<64x4096xbf16>
    %get3A_102 = arith.constant 4 : index
    %get3A_103 = arith.constant 0 : index
    %get3A_104 = arith.constant 0 : index
    %get3A_105 = vector.load %arg2[%get3A_102, %get3A_103, %get3A_104] : memref<9x128x64xbf16, #tpu.memory_space<vmem>>, vector<1x128x64xbf16>
    %get3A_106 = vector.shape_cast %get3A_105 : vector<1x128x64xbf16> to vector<128x64xbf16>
    %dot_general3A_107 = arith.constant dense<0.000000e+00> : vector<128x4096xf32>
    %dot_general3A_108 = tpu.matmul %get3A_106, %get3A_101, %dot_general3A_107 {dimension_numbers = #tpu.dot_dimension_numbers<[1], [0], [0], [1], [0, 0, 1, 1], [], []>, transpose_lhs_hint = false} : vector<128x64xbf16>, vector<64x4096xbf16>, vector<128x4096xf32> -> vector<128x4096xf32>
    %add3A_109 = arith.addf %add3A_98, %dot_general3A_108 : vector<128x4096xf32>
    %get3A_110 = arith.constant 0 : index
    %get3A_111 = arith.constant 73 : index
    %get3A_112 = vector.load %arg10[%get3A_110, %get3A_111] : memref<64x4240xbf16, #tpu.memory_space<vmem>>, vector<64x4096xbf16>
    %mul3A_113 = vector.broadcast %convert_element_type3A_27 : vector<1x4096xbf16> to vector<64x4096xbf16>
    %mul3A_114 = arith.mulf %get3A_112, %mul3A_113 : vector<64x4096xbf16>
    %get3A_115 = arith.constant 5 : index
    %get3A_116 = arith.constant 0 : index
    %get3A_117 = arith.constant 0 : index
    %get3A_118 = vector.load %arg2[%get3A_115, %get3A_116, %get3A_117] : memref<9x128x64xbf16, #tpu.memory_space<vmem>>, vector<1x128x64xbf16>
    %get3A_119 = vector.shape_cast %get3A_118 : vector<1x128x64xbf16> to vector<128x64xbf16>
    %dot_general3A_120 = arith.constant dense<0.000000e+00> : vector<128x4096xf32>
    %dot_general3A_121 = tpu.matmul %get3A_119, %mul3A_114, %dot_general3A_120 {dimension_numbers = #tpu.dot_dimension_numbers<[1], [0], [0], [1], [0, 0, 1, 1], [], []>, transpose_lhs_hint = false} : vector<128x64xbf16>, vector<64x4096xbf16>, vector<128x4096xf32> -> vector<128x4096xf32>
    %add3A_122 = arith.addf %add3A_109, %dot_general3A_121 : vector<128x4096xf32>
    %get3A_123 = arith.constant 0 : index
    %get3A_124 = arith.constant 135 : index
    %get3A_125 = vector.load %arg10[%get3A_123, %get3A_124] : memref<64x4240xbf16, #tpu.memory_space<vmem>>, vector<64x4096xbf16>
    %mul3A_126 = vector.broadcast %convert_element_type3A : vector<1x4096xbf16> to vector<64x4096xbf16>
    %mul3A_127 = arith.mulf %get3A_125, %mul3A_126 : vector<64x4096xbf16>
    %get3A_128 = arith.constant 6 : index
    %get3A_129 = arith.constant 0 : index
    %get3A_130 = arith.constant 0 : index
    %get3A_131 = vector.load %arg2[%get3A_128, %get3A_129, %get3A_130] : memref<9x128x64xbf16, #tpu.memory_space<vmem>>, vector<1x128x64xbf16>
    %get3A_132 = vector.shape_cast %get3A_131 : vector<1x128x64xbf16> to vector<128x64xbf16>
    %dot_general3A_133 = arith.constant dense<0.000000e+00> : vector<128x4096xf32>
    %dot_general3A_134 = tpu.matmul %get3A_132, %mul3A_127, %dot_general3A_133 {dimension_numbers = #tpu.dot_dimension_numbers<[1], [0], [0], [1], [0, 0, 1, 1], [], []>, transpose_lhs_hint = false} : vector<128x64xbf16>, vector<64x4096xbf16>, vector<128x4096xf32> -> vector<128x4096xf32>
    %add3A_135 = arith.addf %add3A_122, %dot_general3A_134 : vector<128x4096xf32>
    %get3A_136 = arith.constant 0 : index
    %get3A_137 = arith.constant 136 : index
    %get3A_138 = vector.load %arg10[%get3A_136, %get3A_137] : memref<64x4240xbf16, #tpu.memory_space<vmem>>, vector<64x4096xbf16>
    %get3A_139 = arith.constant 7 : index
    %get3A_140 = arith.constant 0 : index
    %get3A_141 = arith.constant 0 : index
    %get3A_142 = vector.load %arg2[%get3A_139, %get3A_140, %get3A_141] : memref<9x128x64xbf16, #tpu.memory_space<vmem>>, vector<1x128x64xbf16>
    %get3A_143 = vector.shape_cast %get3A_142 : vector<1x128x64xbf16> to vector<128x64xbf16>
    %dot_general3A_144 = arith.constant dense<0.000000e+00> : vector<128x4096xf32>
    %dot_general3A_145 = tpu.matmul %get3A_143, %get3A_138, %dot_general3A_144 {dimension_numbers = #tpu.dot_dimension_numbers<[1], [0], [0], [1], [0, 0, 1, 1], [], []>, transpose_lhs_hint = false} : vector<128x64xbf16>, vector<64x4096xbf16>, vector<128x4096xf32> -> vector<128x4096xf32>
    %add3A_146 = arith.addf %add3A_135, %dot_general3A_145 : vector<128x4096xf32>
    %get3A_147 = arith.constant 0 : index
    %get3A_148 = arith.constant 137 : index
    %get3A_149 = vector.load %arg10[%get3A_147, %get3A_148] : memref<64x4240xbf16, #tpu.memory_space<vmem>>, vector<64x4096xbf16>
    %mul3A_150 = vector.broadcast %convert_element_type3A_27 : vector<1x4096xbf16> to vector<64x4096xbf16>
    %mul3A_151 = arith.mulf %get3A_149, %mul3A_150 : vector<64x4096xbf16>
    %get3A_152 = arith.constant 8 : index
    %get3A_153 = arith.constant 0 : index
    %get3A_154 = arith.constant 0 : index
    %get3A_155 = vector.load %arg2[%get3A_152, %get3A_153, %get3A_154] : memref<9x128x64xbf16, #tpu.memory_space<vmem>>, vector<1x128x64xbf16>
    %get3A_156 = vector.shape_cast %get3A_155 : vector<1x128x64xbf16> to vector<128x64xbf16>
    %dot_general3A_157 = arith.constant dense<0.000000e+00> : vector<128x4096xf32>
    %dot_general3A_158 = tpu.matmul %get3A_156, %mul3A_151, %dot_general3A_157 {dimension_numbers = #tpu.dot_dimension_numbers<[1], [0], [0], [1], [0, 0, 1, 1], [], []>, transpose_lhs_hint = false} : vector<128x64xbf16>, vector<64x4096xbf16>, vector<128x4096xf32> -> vector<128x4096xf32>
    %add3A_159 = arith.addf %add3A_146, %dot_general3A_158 : vector<128x4096xf32>
    %swap3A_160 = arith.constant 0 : index
    %swap3A_161 = arith.constant 0 : index
    %swap3A_162 = arith.constant 0 : index
    %swap3A_163 = vector.load %arg7[%swap3A_160, %swap3A_161, %swap3A_162] : memref<2x128x4096xf32, #tpu.memory_space<vmem>>, vector<1x128x4096xf32>
    %swap3A_164 = vector.shape_cast %swap3A_163 : vector<1x128x4096xf32> to vector<128x4096xf32>
    %swap3A_165 = vector.shape_cast %add3A_159 : vector<128x4096xf32> to vector<1x128x4096xf32>
    tpu.vector_store %arg7[%swap3A_160, %swap3A_161, %swap3A_162], %swap3A_165 {strides = array<i32>} : memref<2x128x4096xf32, #tpu.memory_space<vmem>>, vector<1x128x4096xf32>,
    %get3A_166 = arith.constant 1 : index
    %get3A_167 = arith.constant 0 : index
    %get3A_168 = arith.constant 0 : index
    %get3A_169 = vector.load %arg1[%get3A_166, %get3A_167, %get3A_168] : memref<2x4096x128xf32, #tpu.memory_space<vmem>>, vector<1x4096x128xf32>
    %get3A_170 = vector.shape_cast %get3A_169 : vector<1x4096x128xf32> to vector<4096x128xf32>
    %slice3A_171 = vector.extract_strided_slice %get3A_170 {offsets = [0, 0], sizes = [4096, 64], strides = [1, 1]} : vector<4096x128xf32> to vector<4096x64xf32>
    %transpose3A_172 = tpu.transpose %slice3A_171, [1, 0] : vector<4096x64xf32> -> vector<64x4096xf32>
    %swap3A_173 = arith.constant 1 : index
    %swap3A_174 = arith.constant 0 : index
    %swap3A_175 = arith.constant 0 : index
    %swap3A_176 = vector.load %arg6[%swap3A_173, %swap3A_174, %swap3A_175] : memref<2x64x4096xf32, #tpu.memory_space<vmem>>, vector<1x64x4096xf32>
    %swap3A_177 = vector.shape_cast %swap3A_176 : vector<1x64x4096xf32> to vector<64x4096xf32>
    %swap3A_178 = vector.shape_cast %transpose3A_172 : vector<64x4096xf32> to vector<1x64x4096xf32>
    tpu.vector_store %arg6[%swap3A_173, %swap3A_174, %swap3A_175], %swap3A_178 {strides = array<i32>} : memref<2x64x4096xf32, #tpu.memory_space<vmem>>, vector<1x64x4096xf32>,
    %broadcast_in_dim3A_179 = arith.constant 0.000000e+00 : bf16
    %broadcast_in_dim3A_180 = vector.broadcast %broadcast_in_dim3A_179 : bf16 to vector<64x4240xbf16>
    %swap3A_181 = arith.constant 0 : index
    %swap3A_182 = arith.constant 0 : index
    %swap3A_183 = vector.load %arg10[%swap3A_181, %swap3A_182] : memref<64x4240xbf16, #tpu.memory_space<vmem>>, vector<64x4240xbf16>
    tpu.vector_store %arg10[%swap3A_181, %swap3A_182], %broadcast_in_dim3A_180 {strides = array<i32>} : memref<64x4240xbf16, #tpu.memory_space<vmem>>, vector<64x4240xbf16>,
    %convert_element_type3A_184 = arith.truncf %transpose3A_172 : vector<64x4096xf32> to vector<64x4096xbf16>
    %swap3A_185 = arith.constant 0 : index
    %swap3A_186 = arith.constant 72 : index
    %swap3A_187 = vector.load %arg10[%swap3A_185, %swap3A_186] : memref<64x4240xbf16, #tpu.memory_space<vmem>>, vector<64x4096xbf16>
    tpu.vector_store %arg10[%swap3A_185, %swap3A_186], %convert_element_type3A_184 {strides = array<i32>} : memref<64x4240xbf16, #tpu.memory_space<vmem>>, vector<64x4096xbf16>,
    %get3A_188 = arith.constant 0 : index
    %get3A_189 = arith.constant 0 : index
    %get3A_190 = vector.load %arg3[%get3A_188, %get3A_189] : memref<128x1xf32, #tpu.memory_space<vmem>>, vector<128x1xf32>
    %broadcast_in_dim3A_191 = vector.shape_cast %get3A_190 : vector<128x1xf32> to vector<128x1xf32>
    %broadcast_in_dim3A_192 = vector.broadcast %broadcast_in_dim3A_191 : vector<128x1xf32> to vector<128x4096xf32>
    %get3A_193 = arith.constant 0 : index
    %get3A_194 = arith.constant 7 : index
    %get3A_195 = vector.load %arg10[%get3A_193, %get3A_194] : memref<64x4240xbf16, #tpu.memory_space<vmem>>, vector<64x4096xbf16>
    %mul3A_196 = vector.broadcast %convert_element_type3A : vector<1x4096xbf16> to vector<64x4096xbf16>
    %mul3A_197 = arith.mulf %get3A_195, %mul3A_196 : vector<64x4096xbf16>
    %get3A_198 = arith.constant 0 : index
    %get3A_199 = arith.constant 0 : index
    %get3A_200 = arith.constant 0 : index
    %get3A_201 = vector.load %arg2[%get3A_198, %get3A_199, %get3A_200] : memref<9x128x64xbf16, #tpu.memory_space<vmem>>, vector<1x128x64xbf16>
    %get3A_202 = vector.shape_cast %get3A_201 : vector<1x128x64xbf16> to vector<128x64xbf16>
    %dot_general3A_203 = arith.constant dense<0.000000e+00> : vector<128x4096xf32>
    %dot_general3A_204 = tpu.matmul %get3A_202, %mul3A_197, %dot_general3A_203 {dimension_numbers = #tpu.dot_dimension_numbers<[1], [0], [0], [1], [0, 0, 1, 1], [], []>, transpose_lhs_hint = false} : vector<128x64xbf16>, vector<64x4096xbf16>, vector<128x4096xf32> -> vector<128x4096xf32>
    %add3A_205 = arith.addf %broadcast_in_dim3A_192, %dot_general3A_204 : vector<128x4096xf32>
    %get3A_206 = arith.constant 0 : index
    %get3A_207 = arith.constant 8 : index
    %get3A_208 = vector.load %arg10[%get3A_206, %get3A_207] : memref<64x4240xbf16, #tpu.memory_space<vmem>>, vector<64x4096xbf16>
    %get3A_209 = arith.constant 1 : index
    %get3A_210 = arith.constant 0 : index
    %get3A_211 = arith.constant 0 : index
    %get3A_212 = vector.load %arg2[%get3A_209, %get3A_210, %get3A_211] : memref<9x128x64xbf16, #tpu.memory_space<vmem>>, vector<1x128x64xbf16>
    %get3A_213 = vector.shape_cast %get3A_212 : vector<1x128x64xbf16> to vector<128x64xbf16>
    %dot_general3A_214 = arith.constant dense<0.000000e+00> : vector<128x4096xf32>
    %dot_general3A_215 = tpu.matmul %get3A_213, %get3A_208, %dot_general3A_214 {dimension_numbers = #tpu.dot_dimension_numbers<[1], [0], [0], [1], [0, 0, 1, 1], [], []>, transpose_lhs_hint = false} : vector<128x64xbf16>, vector<64x4096xbf16>, vector<128x4096xf32> -> vector<128x4096xf32>
    %add3A_216 = arith.addf %add3A_205, %dot_general3A_215 : vector<128x4096xf32>
    %get3A_217 = arith.constant 0 : index
    %get3A_218 = arith.constant 9 : index
    %get3A_219 = vector.load %arg10[%get3A_217, %get3A_218] : memref<64x4240xbf16, #tpu.memory_space<vmem>>, vector<64x4096xbf16>
    %mul3A_220 = vector.broadcast %convert_element_type3A_27 : vector<1x4096xbf16> to vector<64x4096xbf16>
    %mul3A_221 = arith.mulf %get3A_219, %mul3A_220 : vector<64x4096xbf16>
    %get3A_222 = arith.constant 2 : index
    %get3A_223 = arith.constant 0 : index
    %get3A_224 = arith.constant 0 : index
    %get3A_225 = vector.load %arg2[%get3A_222, %get3A_223, %get3A_224] : memref<9x128x64xbf16, #tpu.memory_space<vmem>>, vector<1x128x64xbf16>
    %get3A_226 = vector.shape_cast %get3A_225 : vector<1x128x64xbf16> to vector<128x64xbf16>
    %dot_general3A_227 = arith.constant dense<0.000000e+00> : vector<128x4096xf32>
    %dot_general3A_228 = tpu.matmul %get3A_226, %mul3A_221, %dot_general3A_227 {dimension_numbers = #tpu.dot_dimension_numbers<[1], [0], [0], [1], [0, 0, 1, 1], [], []>, transpose_lhs_hint = false} : vector<128x64xbf16>, vector<64x4096xbf16>, vector<128x4096xf32> -> vector<128x4096xf32>
    %add3A_229 = arith.addf %add3A_216, %dot_general3A_228 : vector<128x4096xf32>
    %get3A_230 = arith.constant 0 : index
    %get3A_231 = arith.constant 71 : index
    %get3A_232 = vector.load %arg10[%get3A_230, %get3A_231] : memref<64x4240xbf16, #tpu.memory_space<vmem>>, vector<64x4096xbf16>
    %mul3A_233 = vector.broadcast %convert_element_type3A : vector<1x4096xbf16> to vector<64x4096xbf16>
    %mul3A_234 = arith.mulf %get3A_232, %mul3A_233 : vector<64x4096xbf16>
    %get3A_235 = arith.constant 3 : index
    %get3A_236 = arith.constant 0 : index
    %get3A_237 = arith.constant 0 : index
    %get3A_238 = vector.load %arg2[%get3A_235, %get3A_236, %get3A_237] : memref<9x128x64xbf16, #tpu.memory_space<vmem>>, vector<1x128x64xbf16>
    %get3A_239 = vector.shape_cast %get3A_238 : vector<1x128x64xbf16> to vector<128x64xbf16>
    %dot_general3A_240 = arith.constant dense<0.000000e+00> : vector<128x4096xf32>
    %dot_general3A_241 = tpu.matmul %get3A_239, %mul3A_234, %dot_general3A_240 {dimension_numbers = #tpu.dot_dimension_numbers<[1], [0], [0], [1], [0, 0, 1, 1], [], []>, transpose_lhs_hint = false} : vector<128x64xbf16>, vector<64x4096xbf16>, vector<128x4096xf32> -> vector<128x4096xf32>
    %add3A_242 = arith.addf %add3A_229, %dot_general3A_241 : vector<128x4096xf32>
    %get3A_243 = arith.constant 0 : index
    %get3A_244 = arith.constant 72 : index
    %get3A_245 = vector.load %arg10[%get3A_243, %get3A_244] : memref<64x4240xbf16, #tpu.memory_space<vmem>>, vector<64x4096xbf16>
    %get3A_246 = arith.constant 4 : index
    %get3A_247 = arith.constant 0 : index
    %get3A_248 = arith.constant 0 : index
    %get3A_249 = vector.load %arg2[%get3A_246, %get3A_247, %get3A_248] : memref<9x128x64xbf16, #tpu.memory_space<vmem>>, vector<1x128x64xbf16>
    %get3A_250 = vector.shape_cast %get3A_249 : vector<1x128x64xbf16> to vector<128x64xbf16>
    %dot_general3A_251 = arith.constant dense<0.000000e+00> : vector<128x4096xf32>
    %dot_general3A_252 = tpu.matmul %get3A_250, %get3A_245, %dot_general3A_251 {dimension_numbers = #tpu.dot_dimension_numbers<[1], [0], [0], [1], [0, 0, 1, 1], [], []>, transpose_lhs_hint = false} : vector<128x64xbf16>, vector<64x4096xbf16>, vector<128x4096xf32> -> vector<128x4096xf32>
    %add3A_253 = arith.addf %add3A_242, %dot_general3A_252 : vector<128x4096xf32>
    %get3A_254 = arith.constant 0 : index
    %get3A_255 = arith.constant 73 : index
    %get3A_256 = vector.load %arg10[%get3A_254, %get3A_255] : memref<64x4240xbf16, #tpu.memory_space<vmem>>, vector<64x4096xbf16>
    %mul3A_257 = vector.broadcast %convert_element_type3A_27 : vector<1x4096xbf16> to vector<64x4096xbf16>
    %mul3A_258 = arith.mulf %get3A_256, %mul3A_257 : vector<64x4096xbf16>
    %get3A_259 = arith.constant 5 : index
    %get3A_260 = arith.constant 0 : index
    %get3A_261 = arith.constant 0 : index
    %get3A_262 = vector.load %arg2[%get3A_259, %get3A_260, %get3A_261] : memref<9x128x64xbf16, #tpu.memory_space<vmem>>, vector<1x128x64xbf16>
    %get3A_263 = vector.shape_cast %get3A_262 : vector<1x128x64xbf16> to vector<128x64xbf16>
    %dot_general3A_264 = arith.constant dense<0.000000e+00> : vector<128x4096xf32>
    %dot_general3A_265 = tpu.matmul %get3A_263, %mul3A_258, %dot_general3A_264 {dimension_numbers = #tpu.dot_dimension_numbers<[1], [0], [0], [1], [0, 0, 1, 1], [], []>, transpose_lhs_hint = false} : vector<128x64xbf16>, vector<64x4096xbf16>, vector<128x4096xf32> -> vector<128x4096xf32>
    %add3A_266 = arith.addf %add3A_253, %dot_general3A_265 : vector<128x4096xf32>
    %get3A_267 = arith.constant 0 : index
    %get3A_268 = arith.constant 135 : index
    %get3A_269 = vector.load %arg10[%get3A_267, %get3A_268] : memref<64x4240xbf16, #tpu.memory_space<vmem>>, vector<64x4096xbf16>
    %mul3A_270 = vector.broadcast %convert_element_type3A : vector<1x4096xbf16> to vector<64x4096xbf16>
    %mul3A_271 = arith.mulf %get3A_269, %mul3A_270 : vector<64x4096xbf16>
    %get3A_272 = arith.constant 6 : index
    %get3A_273 = arith.constant 0 : index
    %get3A_274 = arith.constant 0 : index
    %get3A_275 = vector.load %arg2[%get3A_272, %get3A_273, %get3A_274] : memref<9x128x64xbf16, #tpu.memory_space<vmem>>, vector<1x128x64xbf16>
    %get3A_276 = vector.shape_cast %get3A_275 : vector<1x128x64xbf16> to vector<128x64xbf16>
    %dot_general3A_277 = arith.constant dense<0.000000e+00> : vector<128x4096xf32>
    %dot_general3A_278 = tpu.matmul %get3A_276, %mul3A_271, %dot_general3A_277 {dimension_numbers = #tpu.dot_dimension_numbers<[1], [0], [0], [1], [0, 0, 1, 1], [], []>, transpose_lhs_hint = false} : vector<128x64xbf16>, vector<64x4096xbf16>, vector<128x4096xf32> -> vector<128x4096xf32>
    %add3A_279 = arith.addf %add3A_266, %dot_general3A_278 : vector<128x4096xf32>
    %get3A_280 = arith.constant 0 : index
    %get3A_281 = arith.constant 136 : index
    %get3A_282 = vector.load %arg10[%get3A_280, %get3A_281] : memref<64x4240xbf16, #tpu.memory_space<vmem>>, vector<64x4096xbf16>
    %get3A_283 = arith.constant 7 : index
    %get3A_284 = arith.constant 0 : index
    %get3A_285 = arith.constant 0 : index
    %get3A_286 = vector.load %arg2[%get3A_283, %get3A_284, %get3A_285] : memref<9x128x64xbf16, #tpu.memory_space<vmem>>, vector<1x128x64xbf16>
    %get3A_287 = vector.shape_cast %get3A_286 : vector<1x128x64xbf16> to vector<128x64xbf16>
    %dot_general3A_288 = arith.constant dense<0.000000e+00> : vector<128x4096xf32>
    %dot_general3A_289 = tpu.matmul %get3A_287, %get3A_282, %dot_general3A_288 {dimension_numbers = #tpu.dot_dimension_numbers<[1], [0], [0], [1], [0, 0, 1, 1], [], []>, transpose_lhs_hint = false} : vector<128x64xbf16>, vector<64x4096xbf16>, vector<128x4096xf32> -> vector<128x4096xf32>
    %add3A_290 = arith.addf %add3A_279, %dot_general3A_289 : vector<128x4096xf32>
    %get3A_291 = arith.constant 0 : index
    %get3A_292 = arith.constant 137 : index
    %get3A_293 = vector.load %arg10[%get3A_291, %get3A_292] : memref<64x4240xbf16, #tpu.memory_space<vmem>>, vector<64x4096xbf16>
    %mul3A_294 = vector.broadcast %convert_element_type3A_27 : vector<1x4096xbf16> to vector<64x4096xbf16>
    %mul3A_295 = arith.mulf %get3A_293, %mul3A_294 : vector<64x4096xbf16>
    %get3A_296 = arith.constant 8 : index
    %get3A_297 = arith.constant 0 : index
    %get3A_298 = arith.constant 0 : index
    %get3A_299 = vector.load %arg2[%get3A_296, %get3A_297, %get3A_298] : memref<9x128x64xbf16, #tpu.memory_space<vmem>>, vector<1x128x64xbf16>
    %get3A_300 = vector.shape_cast %get3A_299 : vector<1x128x64xbf16> to vector<128x64xbf16>
    %dot_general3A_301 = arith.constant dense<0.000000e+00> : vector<128x4096xf32>
    %dot_general3A_302 = tpu.matmul %get3A_300, %mul3A_295, %dot_general3A_301 {dimension_numbers = #tpu.dot_dimension_numbers<[1], [0], [0], [1], [0, 0, 1, 1], [], []>, transpose_lhs_hint = false} : vector<128x64xbf16>, vector<64x4096xbf16>, vector<128x4096xf32> -> vector<128x4096xf32>
    %add3A_303 = arith.addf %add3A_290, %dot_general3A_302 : vector<128x4096xf32>
    %swap3A_304 = arith.constant 1 : index
    %swap3A_305 = arith.constant 0 : index
    %swap3A_306 = arith.constant 0 : index
    %swap3A_307 = vector.load %arg7[%swap3A_304, %swap3A_305, %swap3A_306] : memref<2x128x4096xf32, #tpu.memory_space<vmem>>, vector<1x128x4096xf32>
    %swap3A_308 = vector.shape_cast %swap3A_307 : vector<1x128x4096xf32> to vector<128x4096xf32>
    %swap3A_309 = vector.shape_cast %add3A_303 : vector<128x4096xf32> to vector<1x128x4096xf32>
    tpu.vector_store %arg7[%swap3A_304, %swap3A_305, %swap3A_306], %swap3A_309 {strides = array<i32>} : memref<2x128x4096xf32, #tpu.memory_space<vmem>>, vector<1x128x4096xf32>,
    %get3A_310 = arith.constant 0 : index
    %get3A_311 = arith.constant 0 : index
    %get3A_312 = arith.constant 0 : index
    %get3A_313 = vector.load %arg4[%get3A_310, %get3A_311, %get3A_312] : memref<1x1x8192xi32, #tpu.memory_space<vmem>>, vector<1x1x8192xi32>
    %get3A_314 = vector.shape_cast %get3A_313 : vector<1x1x8192xi32> to vector<1x8192xi32>
    %shift_right_arithmetic3A = arith.constant 7 : i32
    %shift_right_arithmetic3A_315 = vector.broadcast %shift_right_arithmetic3A : i32 to vector<1x8192xi32>
    %shift_right_arithmetic3A_316 = arith.shrsi %get3A_314, %shift_right_arithmetic3A_315 : vector<1x8192xi32>
    %iota3A_317 = tpu.iota {dimensions = array<i32: 0>} : vector<8x8192xi32>
    %eq3A_318 = vector.broadcast %shift_right_arithmetic3A_316 : vector<1x8192xi32> to vector<8x8192xi32>
    %eq3A_319 = arith.cmpi eq, %iota3A_317, %eq3A_318 : vector<8x8192xi32>
    %jit3A_320 = arith.constant 1.000000e+00 : f32
    %jit3A_321 = arith.constant 0.000000e+00 : f32
    %broadcast_in_dim3A_322 = vector.broadcast %jit3A_320 : f32 to vector<8x8192xf32>
    %broadcast_in_dim3A_323 = vector.broadcast %jit3A_321 : f32 to vector<8x8192xf32>
    %select_n3A_324 = arith.select %eq3A_319, %broadcast_in_dim3A_322, %broadcast_in_dim3A_323 : vector<8x8192xi1>, vector<8x8192xf32>
    %and3A_325 = arith.constant 127 : i32
    %and3A_326 = vector.broadcast %and3A_325 : i32 to vector<1x8192xi32>
    %and3A_327 = arith.andi %get3A_314, %and3A_326 : vector<1x8192xi32>
    %transpose3A_328 = tpu.transpose %and3A_327, [1, 0] : vector<1x8192xi32> -> vector<8192x1xi32>
    %iota3A_329 = tpu.iota {dimensions = array<i32: 1>} : vector<8192x128xi32>
    %eq3A_330 = vector.broadcast %transpose3A_328 : vector<8192x1xi32> to vector<8192x128xi32>
    %eq3A_331 = arith.cmpi eq, %iota3A_329, %eq3A_330 : vector<8192x128xi32>
    %jit3A_332 = arith.constant 1.000000e+00 : f32
    %jit3A_333 = arith.constant 0.000000e+00 : f32
    %broadcast_in_dim3A_334 = vector.broadcast %jit3A_332 : f32 to vector<8192x128xf32>
    %broadcast_in_dim3A_335 = vector.broadcast %jit3A_333 : f32 to vector<8192x128xf32>
    %select_n3A_336 = arith.select %eq3A_331, %broadcast_in_dim3A_334, %broadcast_in_dim3A_335 : vector<8192x128xi1>, vector<8192x128xf32>
    %dot_general3A_337 = arith.constant dense<0.000000e+00> : vector<8x128xf32>
    %dot_general3A_338 = tpu.matmul %select_n3A_324, %select_n3A_336, %dot_general3A_337 {dimension_numbers = #tpu.dot_dimension_numbers<[1], [0], [0], [1], [0, 0, 1, 1], [], []>, transpose_lhs_hint = false} : vector<8x8192xf32>, vector<8192x128xf32>, vector<8x128xf32> -> vector<8x128xf32>
    %eq3A_339 = arith.constant 0 : i32
    %eq3A_340 = arith.cmpi eq, %arg0, %eq3A_339 : i32
    %convert_element_type3A_341 = arith.extui %eq3A_340 : i1 to i32
    %cond3A = arith.constant 0 : i32
    %cond3A_342 = arith.cmpi ne, %convert_element_type3A_341, %cond3A : i32
    scf.if %cond3A_342 {
      %broadcast_in_dim3A_355 = arith.constant 0.000000e+00 : f32
      %broadcast_in_dim3A_356 = vector.broadcast %broadcast_in_dim3A_355 : f32 to vector<8x128xf32>
      %swap3A_357 = arith.constant 0 : index
      %swap3A_358 = arith.constant 0 : index
      %swap3A_359 = vector.load %arg11[%swap3A_357, %swap3A_358] : memref<8x128xf32, #tpu.memory_space<vmem>>, vector<8x128xf32>
      tpu.vector_store %arg11[%swap3A_357, %swap3A_358], %broadcast_in_dim3A_356 {strides = array<i32>} : memref<8x128xf32, #tpu.memory_space<vmem>>, vector<8x128xf32>,
    } else {
    }
    %get3A_343 = arith.constant 0 : index
    %get3A_344 = arith.constant 0 : index
    %get3A_345 = vector.load %arg11[%get3A_343, %get3A_344] : memref<8x128xf32, #tpu.memory_space<vmem>>, vector<8x128xf32>
    %add3A_346 = arith.addf %get3A_345, %dot_general3A_338 : vector<8x128xf32>
    %swap3A_347 = arith.constant 0 : index
    %swap3A_348 = arith.constant 0 : index
    %swap3A_349 = vector.load %arg11[%swap3A_347, %swap3A_348] : memref<8x128xf32, #tpu.memory_space<vmem>>, vector<8x128xf32>
    tpu.vector_store %arg11[%swap3A_347, %swap3A_348], %add3A_346 {strides = array<i32>} : memref<8x128xf32, #tpu.memory_space<vmem>>, vector<8x128xf32>,
    %eq3A_350 = arith.constant 3 : i32
    %eq3A_351 = arith.cmpi eq, %arg0, %eq3A_350 : i32
    %convert_element_type3A_352 = arith.extui %eq3A_351 : i1 to i32
    %cond3A_353 = arith.constant 0 : i32
    %cond3A_354 = arith.cmpi ne, %convert_element_type3A_352, %cond3A_353 : i32
    scf.if %cond3A_354 {
      %get3A_355 = arith.constant 0 : index
      %get3A_356 = arith.constant 0 : index
      %get3A_357 = vector.load %arg11[%get3A_355, %get3A_356] : memref<8x128xf32, #tpu.memory_space<vmem>>, vector<8x128xf32>
      %mul3A_358 = arith.constant 3.05175781E-5 : f32
      %mul3A_359 = vector.broadcast %mul3A_358 : f32 to vector<8x128xf32>
      %mul3A_360 = arith.mulf %get3A_357, %mul3A_359 : vector<8x128xf32>
      %add3A_361 = arith.constant 1.000000e-10 : f32
      %add3A_362 = vector.broadcast %add3A_361 : f32 to vector<8x128xf32>
      %add3A_363 = arith.addf %mul3A_360, %add3A_362 : vector<8x128xf32>
      %log3A = math.log %add3A_363 : vector<8x128xf32>
      %mul3A_364 = arith.mulf %mul3A_360, %log3A : vector<8x128xf32>
      %reduce_sum3A = vector.shape_cast %mul3A_364 : vector<8x128xf32> to vector<1x8x128xf32>
      %reduce_sum3A_365 = arith.constant dense<0.000000e+00> : vector<1xf32>
      %reduce_sum3A_366 = vector.multi_reduction <add>, %reduce_sum3A, %reduce_sum3A_365 [1, 2] : vector<1x8x128xf32> to vector<1xf32>
      %reduce_sum3A_367 = vector.shape_cast %reduce_sum3A_366 : vector<1xf32> to vector<1x1x1xf32>
      %reduce_sum3A_368 = vector.extract %reduce_sum3A_367[0, 0, 0] : f32 from vector<1x1x1xf32>
      %neg3A = arith.constant 0.000000e+00 : f32
      %neg3A_369 = arith.subf %neg3A, %reduce_sum3A_368 : f32
      %exp3A = math.exp %neg3A_369 : f32
      %reshape3A = vector.broadcast %exp3A : f32 to vector<1x1xf32>
      %swap3A_370 = arith.constant 0 : index
      %swap3A_371 = arith.constant 0 : index
      %swap3A_372 = vector.load %arg9[%swap3A_370, %swap3A_371] : memref<1x1xf32, #tpu.memory_space<vmem>>, vector<1x1xf32>
      tpu.vector_store %arg9[%swap3A_370, %swap3A_371], %reshape3A {strides = array<i32>} : memref<1x1xf32, #tpu.memory_space<vmem>>, vector<1x1xf32>,
      %get3A_373 = arith.constant 0 : index
      %get3A_374 = arith.constant 0 : index
      %get3A_375 = vector.load %arg5[%get3A_373, %get3A_374] : memref<1x1xf32, #tpu.memory_space<vmem>>, vector<1x1xf32>
      %mul3A_376 = arith.constant 5.96046448E-7 : f32
      %mul3A_377 = vector.broadcast %mul3A_376 : f32 to vector<1x1xf32>
      %mul3A_378 = arith.mulf %mul3A_377, %get3A_375 : vector<1x1xf32>
      %swap3A_379 = arith.constant 0 : index
      %swap3A_380 = arith.constant 0 : index
      %swap3A_381 = vector.load %arg8[%swap3A_379, %swap3A_380] : memref<1x1xf32, #tpu.memory_space<vmem>>, vector<1x1xf32>
      tpu.vector_store %arg8[%swap3A_379, %swap3A_380], %mul3A_378 {strides = array<i32>} : memref<1x1xf32, #tpu.memory_space<vmem>>, vector<1x1xf32>,
    } else {
    }
    return
  }
  func.func @transform_0(%arg0: i32) -> (i32, i32, i32) {
    %c0_i32 = arith.constant 0 : i32
    %c0_i32_0 = arith.constant 0 : i32
    %c0_i32_1 = arith.constant 0 : i32
    return %arg0, %c0_i32, %c0_i32_0 : i32, i32, i32
  }
  func.func @transform_1(%arg0: i32) -> (i32, i32, i32) {
    %c0_i32 = arith.constant 0 : i32
    %c0_i32_0 = arith.constant 0 : i32
    %c0_i32_1 = arith.constant 0 : i32
    %c0_i32_2 = arith.constant 0 : i32
    return %c0_i32, %c0_i32_0, %c0_i32_1 : i32, i32, i32
  }
  func.func @transform_2(%arg0: i32) -> (i32, i32) {
    %c0_i32 = arith.constant 0 : i32
    %c0_i32_0 = arith.constant 0 : i32
    %c0_i32_1 = arith.constant 0 : i32
    return %c0_i32, %c0_i32_0 : i32, i32
  }
  func.func @transform_3(%arg0: i32) -> (i32, i32, i32) {
    %c0_i32 = arith.constant 0 : i32
    %c0_i32_0 = arith.constant 0 : i32
    %c0_i32_1 = arith.constant 0 : i32
    return %arg0, %c0_i32, %c0_i32_0 : i32, i32, i32
  }
  func.func @transform_4(%arg0: i32) -> (i32, i32) {
    %c0_i32 = arith.constant 0 : i32
    %c0_i32_0 = arith.constant 0 : i32
    %c0_i32_1 = arith.constant 0 : i32
    return %c0_i32, %c0_i32_0 : i32, i32
  }
  func.func @transform_5(%arg0: i32) -> (i32, i32, i32) {
    %c0_i32 = arith.constant 0 : i32
    %c0_i32_0 = arith.constant 0 : i32
    %c0_i32_1 = arith.constant 0 : i32
    return %arg0, %c0_i32, %c0_i32_0 : i32, i32, i32
  }
  func.func @transform_6(%arg0: i32) -> (i32, i32, i32) {
    %c0_i32 = arith.constant 0 : i32
    %c0_i32_0 = arith.constant 0 : i32
    %c0_i32_1 = arith.constant 0 : i32
    return %arg0, %c0_i32, %c0_i32_0 : i32, i32, i32
  }
  func.func @transform_7(%arg0: i32) -> (i32, i32) {
    %c0_i32 = arith.constant 0 : i32
    %c0_i32_0 = arith.constant 0 : i32
    %c0_i32_1 = arith.constant 0 : i32
    return %c0_i32, %c0_i32_0 : i32, i32
  }
  func.func @transform_8(%arg0: i32) -> (i32, i32) {
    %c0_i32 = arith.constant 0 : i32
    %c0_i32_0 = arith.constant 0 : i32
    %c0_i32_1 = arith.constant 0 : i32
    return %c0_i32, %c0_i32_0 : i32, i32
  }
}

</mosaic_0001>

<sc_bundles>
// kernel: kernel.5.cloned.1.call-start
scs
__scs_entry_jumppad:
0x0: {  	(pc) =	sbr.rel $0x88, $3  }
0x1: {  	(tag) =	ssettag $0x0;
	lr =	simm.s32 $0x1  }
0x2: {  	[smem:$0x3F9B] =	sst lr;
	_ =	strace $0xD0000000  }
0x3: {  	_ = 	snop  }
0x4: {  	_ = 	snop  }
0x5: {  	_ = 	snop  }
0x6: {  	_ = 	snop  }
0x7: {  	_ = 	snop  }
__scs_overlays_trampoline_lowered:
0x8: {  	[smem:$0x3FAA] =	sst s0  }
0x9: {  	[smem:$0x3FAB] =	sst s1  }
0xa: {  	[smem:$0x3FAC] =	sst s2  }
0xb: {  	[smem:$0x3FAD] =	sst s3  }
0xc: {  	[smem:$0x3FAE] =	sst s4  }
0xd: {  	[smem:$0x3FAF] =	sst s5  }
0xe: {  	[smem:$0x3FB0] =	sst s6  }
0xf: {  	[smem:$0x3FB1] =	sst s7  }
0x10: {  	[smem:$0x3FB2] =	sst s8  }
0x11: {  	[smem:$0x3FB3] =	sst s9;
	s0 =	simm.s32 @!p0 $0x0  }
0x12: {  	s1 =	sld [smem:$0x3F99];
	s0 =	simm.s32 @p0 $0x1  }
0x13: {  	[smem:$0x3FB4] =	sst s0;
	s0 =	simm.s32 @!p1 $0x0  }
0x14: {  	s2 =	sld [smem:$0x3F98];
	s0 =	simm.s32 @p1 $0x1  }
0x15: {  	[smem:$0x3FB5] =	sst s0;
	s0 =	simm.s32 @!p2 $0x0  }
0x16: {  	s3 =	sld [smem:$0x3FDB];
	s0 =	simm.s32 @p2 $0x1  }
0x17: {  	s4 =	simm.s32 $0x1BF5;
	[smem:$0x3FB7] =	sst s0  }
0x18: {  	s0 =	sld [smem:$0x3F9A];
	_ =	swait.ge [sflag:s4], $0x0  }
0x19: {  	s7 =	sld [smem:$0x3F9B]  }
0x1a: {  	s8 =	sadd.s32 $0xFFFFE003, lr  }
0x1b: {  	s9 =	sadd.s32 $0xFFFFFEF7, lr;
	s5 =	simm.s32 $0xFFFFFFFF;
	p2 =	slt.u32 s8, $0xFFFFF086  }
0x1c: {  	p1 =	slt.u32 s9, $0xF7A;
	s5 =	simm.s32 @!p2 $0x0  }
0x1d: {  	s5 =	simm.s32 @p1 $0x1;
	p0 =	seq.s32 s7, s2  }
0x1e: {  	s7 =	smul.u32 @!p0 $0xF7A, s2;
	p2 =	seq.s32 @!p0 s5, $0x0  }
0x1f: {  	s9 =	smul.u32 $0xF7A, s1;
	s8 =	simm.s32 @!p0 $0x1BF5;
	p2 =	por !p2, p0  }
0x20: {  	[sflag:s8] =	ssyncset.s32 @!p0 $0xFFFFF086;
	s6 =	sadd.s32 @!p0 s3, s7;
	s7 =	simm.s32 @!p0 $0x108  }
0x21: {  	s3 =	sadd.s32 s3, s9;
	s6 =	sadd.s32 @!p0 $0x88, s6;
	s7 =	simm.s32 @p2 $0x1082  }
0x22: {  	[simem:s7], [sflag:s8] =	dma.local @!p0 [hbm:s6], $0xF7A  }
0x23: {  	s9 =	sor.u32 $0xD0000000, s2;
	s6 =	simm.s32 $0x108;
	_ =	swait.ge @!p0 [sflag:s8], $0x0  }
0x24: {  	s3 =	sadd.s32 $0x88, s3;
	s6 =	simm.s32 @!p1 $0x1082;
	[sflag:s4] =	ssyncset.s32 $0xFFFFF086  }
0x25: {  	[simem:s6], [sflag:s4] =	dma.local [hbm:s3], $0xF7A  }
0x26: {  	[smem:$0x3F9B] =	sst s1;
	(tag) =	ssettag s2;
	_ =	strace s9  }
0x27: {  	s1 =	sld [smem:$0x3FAB]  }
0x28: {  	s2 =	sld [smem:$0x3FAC]  }
0x29: {  	s4 =	sld [smem:$0x3FAE]  }
0x2a: {  	p0 =	seq.s32 s5, $0x0;
	s5 =	sld [smem:$0x3FAF]  }
0x2b: {  	s6 =	sld [smem:$0x3FB0]  }
0x2c: {  	s7 =	sld [smem:$0x3FB1]  }
0x2d: {  	s3 =	simm.s32 $0x108;
	s8 =	sld [smem:$0x3FB2]  }
0x2e: {  	s3 =	simm.s32 @!p0 $0x1082;
	s9 =	sld [smem:$0x3FB3]  }
0x2f: {  	lr =	sadd.s32 s0, s3;
	s0 =	sld [smem:$0x3FAA]  }
0x30: {  	s3 =	sld [smem:$0x3FAD]  }
0x31: {  	[smem:$0x3FB6] =	sst s10  }
0x32: {  	s10 =	sld [smem:$0x3FB4];
	_ =	sdelay $0x3  }
0x33: {  	p0 =	seq.s32 s10, $0x1;
	s10 =	sld [smem:$0x3FB6];
	_ =	sdelay $0x3  }
0x34: {  	[smem:$0x3FB6] =	sst s10  }
0x35: {  	s10 =	sld [smem:$0x3FB5];
	_ =	sdelay $0x3  }
0x36: {  	p1 =	seq.s32 s10, $0x1;
	s10 =	sld [smem:$0x3FB6];
	_ =	sdelay $0x3  }
0x37: {  	[smem:$0x3FB6] =	sst s10  }
0x38: {  	s10 =	sld [smem:$0x3FB7]  }
0x39: {  	_ = 	snop;
	(pc) =	sbr.ind lr, $3  }
0x3a: {  	_ = 	snop  }
0x3b: {  	_ = 	snop  }
0x3c: {  	p2 =	seq.s32 s10, $0x1;
	s10 =	sld [smem:$0x3FB6]  }
0x3d: {  	_ =	shalt  }
0x3e: {  	_ =	shalt  }
0x3f: {  	_ =	shalt  }
0x40: {  	_ =	shalt  }
0x41: {  	_ =	shalt  }
0x42: {  	_ =	shalt  }
0x43: {  	_ =	shalt  }
0x44: {  	_ =	shalt  }
0x45: {  	_ =	shalt  }
0x46: {  	_ =	shalt  }
0x47: {  	_ =	shalt  }
0x48: {  	_ =	shalt  }
0x49: {  	_ =	shalt  }
0x4a: {  	_ =	shalt  }
0x4b: {  	_ =	shalt  }
0x4c: {  	_ =	shalt  }
0x4d: {  	_ =	shalt  }
0x4e: {  	_ =	shalt  }
0x4f: {  	_ =	shalt  }
0x50: {  	_ =	shalt  }
0x51: {  	_ =	shalt  }
0x52: {  	_ =	shalt  }
0x53: {  	_ =	shalt  }
0x54: {  	_ =	shalt  }
0x55: {  	_ =	shalt  }
0x56: {  	_ =	shalt  }
0x57: {  	_ =	shalt  }
0x58: {  	_ =	shalt  }
0x59: {  	_ =	shalt  }
0x5a: {  	_ =	shalt  }
0x5b: {  	_ =	shalt  }
0x5c: {  	_ =	shalt  }
0x5d: {  	_ =	shalt  }
0x5e: {  	_ =	shalt  }
0x5f: {  	_ =	shalt  }
0x60: {  	_ =	shalt  }
0x61: {  	_ =	shalt  }
0x62: {  	_ =	shalt  }
0x63: {  	_ =	shalt  }
0x64: {  	_ =	shalt  }
0x65: {  	_ =	shalt  }
0x66: {  	_ =	shalt  }
0x67: {  	_ =	shalt  }
0x68: {  	_ =	shalt  }
0x69: {  	_ =	shalt  }
0x6a: {  	_ =	shalt  }
0x6b: {  	_ =	shalt  }
0x6c: {  	_ =	shalt  }
0x6d: {  	_ =	shalt  }
0x6e: {  	_ =	shalt  }
0x6f: {  	_ =	shalt  }
0x70: {  	_ =	shalt  }
0x71: {  	_ =	shalt  }
0x72: {  	_ =	shalt  }
0x73: {  	_ =	shalt  }
0x74: {  	_ =	shalt  }
0x75: {  	_ =	shalt  }
0x76: {  	_ =	shalt  }
0x77: {  	_ =	shalt  }
0x78: {  	_ =	shalt  }
0x79: {  	_ =	shalt  }
0x7a: {  	_ =	shalt  }
0x7b: {  	_ =	shalt  }
0x7c: {  	_ =	shalt  }
0x7d: {  	_ =	shalt  }
0x7e: {  	_ =	shalt  }
0x7f: {  	_ =	shalt  }
0x80: {  	_ =	shalt  }
0x81: {  	_ =	shalt  }
0x82: {  	_ =	shalt  }
0x83: {  	_ =	shalt  }
0x84: {  	_ =	shalt  }
0x85: {  	_ =	shalt  }
0x86: {  	_ =	shalt  }
0x87: {  	_ =	shalt  }
.Lfunc_end0:
.L_simem_size_0:
called_computation_lowered:
.L_overlay_start_0:
0x88: {  	s2 =	sld [smem:$0x3FD9]  }
0x89: {  	s3 =	sld [smem:$0x3FFE];
	_ =	sdelay $0x1  }
0x8a: {  	s1 =	srdreg.scid  }
0x8b: {  	s0 =	sand.u32 $0x1, s1  }
0x8c: {  	s15 =	sshll.u32 s0, $0xA;
	s2 =	sadd.s32 s3, s2  }
0x8d: {  	s2 =	sadd.s32 s2, s15  }
0x8e: {  	[smem:$0x3FC2] =	sst s2  }
0x8f: {  	_ = 	snop  }
0x90: {  	s2 =	sld [smem:$0x3FD0];
	_ =	sdelay $0x2  }
0x91: {  	s16 =	simm.s32 $0xA;
	s4 =	simm.s32 $0x10  }
0x92: {  	[smem:s4], [sflag:s16] =	dma.local [hbm:s2], $0x1  }
0x93: {  	_ =	swait.eq [sflag:s16], $0x1  }
0x94: {  	s17 =	sld [smem:$0x11];
	[sflag:s16] =	ssyncset.done $0x0  }
0x95: {  	s18 =	sld [smem:$0x12];
	[sflag:s16] =	ssyncadd.s32 $0xFFFFFFFF  }
0x96: {  	s19 =	sld [smem:$0x14];
	(tm) =	ssettm $0x1  }
0x97: {  	s5 =	sld [smem:$0x3FFB];
	_ =	sdelay $0x3  }
0x98: {  	_ =	strace s5  }
0x99: {  	s5 =	sld [smem:$0x3FFC];
	_ =	sdelay $0x3  }
0x9a: {  	_ =	strace s5  }
0x9b: {  	s5 =	sld [smem:$0x3FFD];
	_ =	sdelay $0x3  }
0x9c: {  	_ =	strace s5  }
0x9d: {  	_ =	strace $0x8FFFFFFF  }
0x9e: {  	s20 =	sld [smem:$0x3FDB];
	_ =	sdelay $0x1  }
0x9f: {  	s6 =	simm.s32 $_scs_section_size  }
0xa0: {  	s7 =	simm.s32 $_size__tile_overlayer_lowered;
	s8 =	simm.s32 $_tile_overlayer_lowered  }
0xa1: {  	s23 =	simm.s32 $0x1BFF;
	s22 =	sshll.u32 s8, $0x1;
	s5 =	sadd.s32 s6, s20  }
0xa2: {  	s9 =	simm.s32 $0x0;
	s21 =	sshll.u32 s7, $0x1;
	s7 =	sadd.s32 s22, s5  }
0xa3: {  	[timem:s9], [sflag:s23] =	dma.local [hbm:s7], s21  }
0xa4: {  	_ =	swait.ge [sflag:s23], s21  }
0xa5: {  	s6 =	ssub.s32 $0x0, s21;
	[sflag:s23] =	ssyncset.done $0x0  }
0xa6: {  	[sflag:s23] =	ssyncadd.s32 s6;
	_ =	sdelay $0x1  }
0xa7: {  	s24 =	simm.s32 $0x1B8B  }
0xa8: {  	_ =	swait.ge [sflag:s24], $0x1  }
0xa9: {  	[sflag:s24] =	ssyncset.done $0x0  }
0xaa: {  	s25 =	simm.s32 $0x1B8E;
	[sflag:s24] =	ssyncadd.s32 $0xFFFFFFFF  }
0xab: {  	s26 =	simm.s32 $execute0_lowered;
	[smem:$0x3FD2] =	sst s25  }
0xac: {  	s6 =	sshll.u32 s26, $0x1;
	_ =	strace $0x80000046;
	[dreg:$0x1] =	wrdreg $0xFFFFFFFF  }
0xad: {  	s28 =	simm.s32 $_size_execute0_lowered;
	s5 =	sadd.s32 s5, s6;
	[dreg:$0x0] =	wrdreg $0x0  }
0xae: {  	s6 =	sshll.u32 s28, $0x1;
	[dreg:$0x2] =	wrdreg s5  }
0xaf: {  	[dreg:$0x3] =	wrdreg s6  }
0xb0: {  	[dreg:$0x4] =	wrdreg $0xC0  }
0xb1: {  	_ =	task [dreg:s9], $0x5FFFF  }
0xb2: {  	[dreg:$0x1] =	wrdreg $0xFFFFFFFF  }
0xb3: {  	[dreg:$0x0] =	wrdreg $0x60  }
0xb4: {  	[dreg:$0x2] =	wrdreg s17  }
0xb5: {  	[dreg:$0x3] =	wrdreg s19  }
0xb6: {  	[dreg:$0x4] =	wrdreg s18  }
0xb7: {  	[dreg:$0x5] =	wrdreg $0x104000  }
0xb8: {  	[dreg:$0x6] =	wrdreg $0x9  }
0xb9: {  	_ =	task.clear_ibuf [dreg:s9], $0x7FFFF;
	_ =	strace $0x90000046  }
0xba: {  	s29 =	simm.s32 $0x9;
	_ =	strace $0x80000048  }
0xbb: {  	_ =	swait.ge [sflag:s29], $0x1  }
0xbc: {  	[sflag:s29] =	ssyncadd.s32 $0xFFFFFFFF  }
0xbd: {  	_ =	strace $0x90000048  }
0xbe: {  	_ =	sfence  }
0xbf: {  	s30 =	sld [smem:$0x0];
	_ =	sdelay $0x2  }
0xc0: {  	s31 =	sshll.u32 s1, $0xD;
	s1 =	sshrl.u32 s1, $0x2  }
0xc1: {  	s3 =	sand.u32 $0x4000, s31;
	s1 =	sadd.s32 s1, s30  }
0xc2: {  	s0 =	sor.u32 s3, s0;
	s1 =	sshll.u32 s1, $0x11  }
0xc3: {  	s0 =	sor.u32 s1, s0  }
0xc4: {  	s0 =	sadd.s32 $0x8F2B, s0  }
0xc5: {  	[sflag:s0] =	ssyncadd.remote.s32 $0x1  }
0xc6: {  	_ =	sfence.sel $0xFFFF  }
0xc7: {  	[dreg:$0x0] =	wrdreg $0xFFFFFFFF;
	(pc) =	sbr.abs _section_cstart, $3  }
0xc8: {  	[dreg:$0x1] =	wrdreg $0xFFFFFFFF  }
0xc9: {  	_ =	task.clear_ibuf [dreg:s9], $0x2FFFF;
	_ =	strace $0x9FFFFFFF  }
0xca: {  	(tm) =	ssettm $0x7FFFFFFF  }
0xcb: {  	_ =	shalt  }
tec
execute0_lowered:
.L_overlay_start_1:
0x0: {  	(tag) =	ssettag $0x1  }
0x1: {  	s11 =	rddreg [dreg:$0x0]  }
0x2: {  	s3 =	rddreg [dreg:$0x1]  }
0x3: {  	s4 =	rddreg [dreg:$0x2]  }
0x4: {  	s2 =	rddreg [dreg:$0x3]  }
0x5: {  	s1 =	srdreg.scid;
	s0 =	rddreg [dreg:$0x4]  }
0x6: {  	s5 =	stileid.u32;
	s18 =	simm.s32 $0x100;
	s6 =	sand.u32 $0x1, s1  }
0x7: {  	s10 =	simm.s32 $0x8400;
	s8 =	sshll.u32 s6, $0xA;
	s6 =	ssub.s32 $0x2, s6  }
0x8: {  	s19 =	simm.s32 $0x180;
	s12 =	simm.s32 $0xC400;
	s30 =	sshrl.u32 s6, $0x1  }
0x9: {  	s14 =	simm.s32 $0x280;
	s15 =	simm.s32 $0x300;
	s6 =	ssub.s32 s6, s30  }
0xa: {  	s16 =	simm.s32 $0x380;
	p1 =	por $0x0, $0x0;
	s13 =	smax.u32 s6, $0x1  }
0xb: {  	s1 =	simm.s32 $0x0;
	s7 =	sshll.u32 s5, $0xB;
	s23 =	sadd.s32 $0xFFFFFFFF, s13  }
0xc: {  	p0 =	sne.s32 s5, $0x0;
	s5 =	simm.s32 $0x400;
	p2 =	sne.s32 s23, $0x0  }
.Ltmp0:
0xd: {  	[smem:$0x7FF] =	sst s1;
	s7 =	sor.u32 s8, s7;
	(pc) =	sbr.rel @!p2 .LBB2_3-.Ltmp0, $4  }
0xe: {  	s20 =	sshrl.u32 @!p0 s2, $0x3;
	_ =	strace $0x80000047;
	s9 =	sshll.u32 s7, $0x4  }
0xf: {  	s8 =	simm.s32 $0x80;
	s31 =	sshrl.u32 s7, $0x3;
	s7 =	sadd.s32 s4, s9  }
0x10: {  	s17 =	sadd.s32 s3, s31;
	s4 =	simm.s32 $0x2;
	s9 =	simm.s32 $0x4400  }
0x11: {  	s6 =	simm.s32 $0x1;
	s3 =	sadd.s32 $0x2000, s7;
	s13 =	simm.s32 $0x200  }
0x12: {  	s21 =	simm.s32 @!p0 $0x1C02;
	s22 =	simm.s32 @!p0 $0x2  }
0x13: {  	[spmem:s20], [sflag:s21] =	dma.local @!p0 [hbm:s11], $0x4000  }
0x14: {  	_ =	swait.ge @!p0 [sflag:s22], $0x4000  }
0x15: {  	[sflag:s22] =	ssyncset.done @!p0 $0x0  }
0x16: {  	[sflag:s22] =	ssyncadd.s32 @!p0 $0xFFFFC000  }
0x17: {  	[tilespmem:s1], [sflag:$0x2] =	stream.linear.gather [hbm4b:s17+s1], $0x400, $0x38;
	[tilespmem:$0x12400] =	vst v63  }
0x18: {  	_ =	swait.ge [sflag:s4], $0x400  }
0x19: {  	[sflag:s4] =	ssyncset.done $0x0  }
0x1a: {  	[sflag:s4] =	ssyncadd.s32 $0xFFFFFC00  }
0x1b: {  	[bflag:$0x0] =	sbarrier.arrive $0xFFFF  }
0x1c: {  	[tilespmem:s5], [sflag:$0x1] =	stream.indirect.gather [spmem:s2], $0x80, s1, s8, $0xb8;
	[tilespmem:$0x12400] =	vst v63  }
0x1d: {  	_ = 	snop  }
0x1e: {  	[tilespmem:s9], [sflag:$0x1] =	stream.indirect.gather [spmem:s2], $0x80, s8, s8, $0xb8;
	[tilespmem:$0x12400] =	vst v63  }
0x1f: {  	_ = 	snop  }
0x20: {  	[tilespmem:s10], [sflag:$0x1] =	stream.indirect.gather [spmem:s2], $0x80, s18, s8, $0xb8;
	[tilespmem:$0x12400] =	vst v63  }
0x21: {  	_ = 	snop  }
0x22: {  	[tilespmem:s12], [sflag:$0x1] =	stream.indirect.gather [spmem:s2], $0x80, s19, s8, $0xb8;
	[tilespmem:$0x12400] =	vst v63  }
0x23: {  	_ =	swait.ge [sflag:s6], $0x4000  }
0x24: {  	[sflag:s6] =	ssyncset.done $0x0  }
0x25: {  	[sflag:s6] =	ssyncadd.s32 $0xFFFFC000  }
0x26: {  	_ =	swait.ge [sflag:s6], $0x4000  }
0x27: {  	[sflag:s6] =	ssyncset.done $0x0  }
0x28: {  	[sflag:s6] =	ssyncadd.s32 $0xFFFFC000  }
0x29: {  	_ =	swait.ge [sflag:s6], $0x4000  }
0x2a: {  	[sflag:s6] =	ssyncset.done $0x0  }
0x2b: {  	[sflag:s6] =	ssyncadd.s32 $0xFFFFC000  }
0x2c: {  	_ =	swait.ge [sflag:s6], $0x4000  }
0x2d: {  	[sflag:s6] =	ssyncset.done $0x0  }
0x2e: {  	[sflag:s6] =	ssyncadd.s32 $0xFFFFC000  }
0x2f: {  	[hbm4b:s7+s1] =	stream.linear.scatter [tilespmem:s5], [sflag:$0x2], $0x10000, $0x38;
	[tilespmem:$0x12400] =	vst v63  }
0x30: {  	_ =	swait.ge [sflag:s4], $0x10000  }
0x31: {  	[sflag:s4] =	ssyncset.done $0x0  }
0x32: {  	[sflag:s4] =	ssyncadd.s32 $0xFFFF0000  }
0x33: {  	[tilespmem:s5], [sflag:$0x1] =	stream.indirect.gather [spmem:s2], $0x80, s13, s8, $0xb8;
	[tilespmem:$0x12400] =	vst v63  }
0x34: {  	_ = 	snop  }
0x35: {  	[tilespmem:s9], [sflag:$0x1] =	stream.indirect.gather [spmem:s2], $0x80, s14, s8, $0xb8;
	[tilespmem:$0x12400] =	vst v63  }
0x36: {  	_ = 	snop  }
0x37: {  	[tilespmem:s10], [sflag:$0x1] =	stream.indirect.gather [spmem:s2], $0x80, s15, s8, $0xb8;
	[tilespmem:$0x12400] =	vst v63  }
0x38: {  	_ = 	snop  }
0x39: {  	[tilespmem:s12], [sflag:$0x1] =	stream.indirect.gather [spmem:s2], $0x80, s16, s8, $0xb8;
	[tilespmem:$0x12400] =	vst v63  }
0x3a: {  	_ =	swait.ge [sflag:s6], $0x4000  }
0x3b: {  	[sflag:s6] =	ssyncset.done $0x0  }
0x3c: {  	[sflag:s6] =	ssyncadd.s32 $0xFFFFC000  }
0x3d: {  	_ =	swait.ge [sflag:s6], $0x4000  }
0x3e: {  	[sflag:s6] =	ssyncset.done $0x0  }
0x3f: {  	[sflag:s6] =	ssyncadd.s32 $0xFFFFC000  }
0x40: {  	_ =	swait.ge [sflag:s6], $0x4000  }
0x41: {  	[sflag:s6] =	ssyncset.done $0x0  }
0x42: {  	s23 =	sadd.s32 $0xFFFFFFFF, s23;
	[sflag:s6] =	ssyncadd.s32 $0xFFFFC000  }
0x43: {  	p2 =	sne.s32 s23, $0x0;
	_ =	swait.ge [sflag:s6], $0x4000  }
.Ltmp1:
0x44: {  	[sflag:s6] =	ssyncset.done $0x0;
	(pc) =	sbr.rel @!p2 .LBB2_3-.Ltmp1, $4  }
0x45: {  	[sflag:s6] =	ssyncadd.s32 $0xFFFFC000  }
0x46: {  	[hbm4b:s3+s1] =	stream.linear.scatter [tilespmem:s5], [sflag:$0x2], $0x10000, $0x38;
	[tilespmem:$0x12400] =	vst v63  }
0x47: {  	_ =	swait.ge [sflag:s4], $0x10000  }
0x48: {  	p1 =	por $0x1, $0x1;
	[sflag:s4] =	ssyncset.done $0x0  }
.LBB2_2:
0x49: {  	[sflag:s4] =	ssyncadd.s32 $0xFFFF0000  }
0x4a: {  	[spmem:s20], [sflag:s21] =	dma.local @!p0 [hbm:s11], $0x4000  }
0x4b: {  	s23 =	sadd.s32 $0xFFFFFFFF, s23;
	_ =	swait.ge @!p0 [sflag:s22], $0x4000  }
0x4c: {  	p2 =	sne.s32 s23, $0x0;
	[sflag:s22] =	ssyncset.done @!p0 $0x0  }
0x4d: {  	[sflag:s22] =	ssyncadd.s32 @!p0 $0xFFFFC000  }
0x4e: {  	[tilespmem:s1], [sflag:$0x2] =	stream.linear.gather [hbm4b:s17+s1], $0x400, $0x38;
	[tilespmem:$0x12400] =	vst v63  }
0x4f: {  	_ =	swait.ge [sflag:s4], $0x400  }
0x50: {  	[sflag:s4] =	ssyncset.done $0x0  }
0x51: {  	[sflag:s4] =	ssyncadd.s32 $0xFFFFFC00  }
0x52: {  	[bflag:$0x0] =	sbarrier.arrive $0xFFFF  }
0x53: {  	[tilespmem:s5], [sflag:$0x1] =	stream.indirect.gather [spmem:s2], $0x80, s1, s8, $0xb8;
	[tilespmem:$0x12400] =	vst v63  }
0x54: {  	_ = 	snop  }
0x55: {  	[tilespmem:s9], [sflag:$0x1] =	stream.indirect.gather [spmem:s2], $0x80, s8, s8, $0xb8;
	[tilespmem:$0x12400] =	vst v63  }
0x56: {  	_ = 	snop  }
0x57: {  	[tilespmem:s10], [sflag:$0x1] =	stream.indirect.gather [spmem:s2], $0x80, s18, s8, $0xb8;
	[tilespmem:$0x12400] =	vst v63  }
0x58: {  	_ = 	snop  }
0x59: {  	[tilespmem:s12], [sflag:$0x1] =	stream.indirect.gather [spmem:s2], $0x80, s19, s8, $0xb8;
	[tilespmem:$0x12400] =	vst v63  }
0x5a: {  	_ =	swait.ge [sflag:s6], $0x4000  }
0x5b: {  	[sflag:s6] =	ssyncset.done $0x0  }
0x5c: {  	[sflag:s6] =	ssyncadd.s32 $0xFFFFC000  }
0x5d: {  	_ =	swait.ge [sflag:s6], $0x4000  }
0x5e: {  	[sflag:s6] =	ssyncset.done $0x0  }
0x5f: {  	[sflag:s6] =	ssyncadd.s32 $0xFFFFC000  }
0x60: {  	_ =	swait.ge [sflag:s6], $0x4000  }
0x61: {  	[sflag:s6] =	ssyncset.done $0x0  }
0x62: {  	[sflag:s6] =	ssyncadd.s32 $0xFFFFC000  }
0x63: {  	_ =	swait.ge [sflag:s6], $0x4000  }
0x64: {  	[sflag:s6] =	ssyncset.done $0x0  }
0x65: {  	[sflag:s6] =	ssyncadd.s32 $0xFFFFC000  }
0x66: {  	[hbm4b:s7+s1] =	stream.linear.scatter [tilespmem:s5], [sflag:$0x2], $0x10000, $0x38;
	[tilespmem:$0x12400] =	vst v63  }
0x67: {  	_ =	swait.ge [sflag:s4], $0x10000  }
0x68: {  	[sflag:s4] =	ssyncset.done $0x0  }
0x69: {  	[sflag:s4] =	ssyncadd.s32 $0xFFFF0000  }
0x6a: {  	[tilespmem:s5], [sflag:$0x1] =	stream.indirect.gather [spmem:s2], $0x80, s13, s8, $0xb8;
	[tilespmem:$0x12400] =	vst v63  }
0x6b: {  	_ = 	snop  }
0x6c: {  	[tilespmem:s9], [sflag:$0x1] =	stream.indirect.gather [spmem:s2], $0x80, s14, s8, $0xb8;
	[tilespmem:$0x12400] =	vst v63  }
0x6d: {  	_ = 	snop  }
0x6e: {  	[tilespmem:s10], [sflag:$0x1] =	stream.indirect.gather [spmem:s2], $0x80, s15, s8, $0xb8;
	[tilespmem:$0x12400] =	vst v63  }
0x6f: {  	_ = 	snop  }
0x70: {  	[tilespmem:s12], [sflag:$0x1] =	stream.indirect.gather [spmem:s2], $0x80, s16, s8, $0xb8;
	[tilespmem:$0x12400] =	vst v63  }
0x71: {  	_ =	swait.ge [sflag:s6], $0x4000  }
0x72: {  	[sflag:s6] =	ssyncset.done $0x0  }
0x73: {  	[sflag:s6] =	ssyncadd.s32 $0xFFFFC000  }
0x74: {  	_ =	swait.ge [sflag:s6], $0x4000  }
0x75: {  	[sflag:s6] =	ssyncset.done $0x0  }
0x76: {  	[sflag:s6] =	ssyncadd.s32 $0xFFFFC000  }
0x77: {  	_ =	swait.ge [sflag:s6], $0x4000  }
0x78: {  	[sflag:s6] =	ssyncset.done $0x0  }
0x79: {  	[sflag:s6] =	ssyncadd.s32 $0xFFFFC000  }
0x7a: {  	_ =	swait.ge [sflag:s6], $0x4000  }
.Ltmp2:
0x7b: {  	[sflag:s6] =	ssyncset.done $0x0;
	(pc) =	sbr.rel @p2 .LBB2_2-.Ltmp2, $4  }
0x7c: {  	[sflag:s6] =	ssyncadd.s32 $0xFFFFC000  }
0x7d: {  	[hbm4b:s3+s1] =	stream.linear.scatter [tilespmem:s5], [sflag:$0x2], $0x10000, $0x38;
	[tilespmem:$0x12400] =	vst v63  }
0x7e: {  	_ =	swait.ge [sflag:s4], $0x10000  }
0x7f: {  	[sflag:s4] =	ssyncset.done $0x0  }
.LBB2_3:
0x80: {  	s21 =	simm.s32 @!p0 $0x1C02;
	s22 =	simm.s32 @!p0 $0x2;
	[sflag:s4] =	ssyncadd.s32 @p1 $0xFFFF0000  }
0x81: {  	[spmem:s20], [sflag:s21] =	dma.local @!p0 [hbm:s11], $0x4000  }
0x82: {  	_ =	swait.ge @!p0 [sflag:s22], $0x4000  }
0x83: {  	[sflag:s22] =	ssyncset.done @!p0 $0x0  }
0x84: {  	[sflag:s22] =	ssyncadd.s32 @!p0 $0xFFFFC000  }
0x85: {  	[tilespmem:s1], [sflag:$0x2] =	stream.linear.gather [hbm4b:s17+s1], $0x400, $0x38;
	[tilespmem:$0x12400] =	vst v63  }
0x86: {  	_ =	swait.ge [sflag:s4], $0x400  }
0x87: {  	[sflag:s4] =	ssyncset.done $0x0  }
0x88: {  	[sflag:s4] =	ssyncadd.s32 $0xFFFFFC00  }
0x89: {  	[bflag:$0x0] =	sbarrier.arrive $0xFFFF  }
0x8a: {  	[tilespmem:s5], [sflag:$0x1] =	stream.indirect.gather [spmem:s2], $0x80, s1, s8, $0xb8;
	[tilespmem:$0x12400] =	vst v63  }
0x8b: {  	_ = 	snop  }
0x8c: {  	[tilespmem:s9], [sflag:$0x1] =	stream.indirect.gather [spmem:s2], $0x80, s8, s8, $0xb8;
	[tilespmem:$0x12400] =	vst v63  }
0x8d: {  	_ = 	snop  }
0x8e: {  	[tilespmem:s10], [sflag:$0x1] =	stream.indirect.gather [spmem:s2], $0x80, s18, s8, $0xb8;
	[tilespmem:$0x12400] =	vst v63  }
0x8f: {  	_ = 	snop  }
0x90: {  	[tilespmem:s12], [sflag:$0x1] =	stream.indirect.gather [spmem:s2], $0x80, s19, s8, $0xb8;
	[tilespmem:$0x12400] =	vst v63  }
0x91: {  	_ =	swait.ge [sflag:s6], $0x4000  }
0x92: {  	[sflag:s6] =	ssyncset.done $0x0  }
0x93: {  	[sflag:s6] =	ssyncadd.s32 $0xFFFFC000  }
0x94: {  	_ =	swait.ge [sflag:s6], $0x4000  }
0x95: {  	[sflag:s6] =	ssyncset.done $0x0  }
0x96: {  	[sflag:s6] =	ssyncadd.s32 $0xFFFFC000  }
0x97: {  	_ =	swait.ge [sflag:s6], $0x4000  }
0x98: {  	[sflag:s6] =	ssyncset.done $0x0  }
0x99: {  	[sflag:s6] =	ssyncadd.s32 $0xFFFFC000  }
0x9a: {  	_ =	swait.ge [sflag:s6], $0x4000  }
0x9b: {  	[sflag:s6] =	ssyncset.done $0x0  }
0x9c: {  	[sflag:s6] =	ssyncadd.s32 $0xFFFFC000  }
0x9d: {  	[hbm4b:s7+s1] =	stream.linear.scatter [tilespmem:s5], [sflag:$0x2], $0x10000, $0x38;
	[tilespmem:$0x12400] =	vst v63  }
0x9e: {  	_ =	swait.ge [sflag:s4], $0x10000  }
0x9f: {  	[sflag:s4] =	ssyncset.done $0x0  }
0xa0: {  	[sflag:s4] =	ssyncadd.s32 $0xFFFF0000  }
0xa1: {  	[tilespmem:s5], [sflag:$0x1] =	stream.indirect.gather [spmem:s2], $0x80, s13, s8, $0xb8;
	[tilespmem:$0x12400] =	vst v63  }
0xa2: {  	_ = 	snop  }
0xa3: {  	[tilespmem:s9], [sflag:$0x1] =	stream.indirect.gather [spmem:s2], $0x80, s14, s8, $0xb8;
	[tilespmem:$0x12400] =	vst v63  }
0xa4: {  	_ = 	snop  }
0xa5: {  	[tilespmem:s10], [sflag:$0x1] =	stream.indirect.gather [spmem:s2], $0x80, s15, s8, $0xb8;
	[tilespmem:$0x12400] =	vst v63  }
0xa6: {  	_ = 	snop  }
0xa7: {  	[tilespmem:s12], [sflag:$0x1] =	stream.indirect.gather [spmem:s2], $0x80, s16, s8, $0xb8;
	[tilespmem:$0x12400] =	vst v63  }
0xa8: {  	_ =	swait.ge [sflag:s6], $0x4000  }
0xa9: {  	[sflag:s6] =	ssyncset.done $0x0  }
0xaa: {  	[sflag:s6] =	ssyncadd.s32 $0xFFFFC000  }
0xab: {  	_ =	swait.ge [sflag:s6], $0x4000  }
0xac: {  	[sflag:s6] =	ssyncset.done $0x0  }
0xad: {  	[sflag:s6] =	ssyncadd.s32 $0xFFFFC000  }
0xae: {  	_ =	swait.ge [sflag:s6], $0x4000  }
0xaf: {  	[sflag:s6] =	ssyncset.done $0x0  }
0xb0: {  	[sflag:s6] =	ssyncadd.s32 $0xFFFFC000  }
0xb1: {  	_ =	swait.ge [sflag:s6], $0x4000  }
0xb2: {  	[sflag:s6] =	ssyncset.done $0x0  }
0xb3: {  	[sflag:s6] =	ssyncadd.s32 $0xFFFFC000  }
0xb4: {  	[hbm4b:s3+s1] =	stream.linear.scatter [tilespmem:s5], [sflag:$0x2], $0x10000, $0x38;
	[tilespmem:$0x12400] =	vst v63  }
0xb5: {  	_ =	swait.ge [sflag:s4], $0x10000  }
0xb6: {  	[sflag:s4] =	ssyncset.done $0x0  }
0xb7: {  	[sflag:s4] =	ssyncadd.s32 $0xFFFF0000  }
0xb8: {  	_ =	sfence.sel $0x180000  }
0xb9: {  	[bflag:$0x0] =	sbarrier.arrive $0xFFFF  }
0xba: {  	_ =	strace $0x90000047  }
0xbb: {  	s0 =	sadd.s32 @!p0 $0x100000, s0;
	[bflag:$0x2] =	sbarrier.arrive $0xFFFF  }
0xbc: {  	[sflag:s0] =	ssyncadd.tile.s32 @!p0 $0x1;
	_ =	shalt  }
.Lfunc_end2:
_tile_overlayer_lowered:
.L_overlay_start_2:
0xbd: {  	(tag) =	ssettag $0x2  }
0xbe: {  	s0 =	rddreg [dreg:$0x0];
	s2 =	stileid.u32  }
0xbf: {  	s1 =	rddreg [dreg:$0x1];
	p0 =	sne.s32 s2, $0x0  }
0xc0: {  	s3 =	rddreg [dreg:$0x2];
	[bflag:$0x3] =	sbarrier.arrive $0xFFFF;
	s2 =	simm.s32 @!p0 $0x1C02  }
0xc1: {  	[timem:s3], [sflag:s2] =	dma.local @!p0 [hbm:s0], s1  }
0xc2: {  	s0 =	simm.s32 @!p0 $0x2  }
0xc3: {  	_ =	swait.ge @!p0 [sflag:s0], s1  }
0xc4: {  	s1 =	ssub.s32 @!p0 $0x0, s1;
	[sflag:s0] =	ssyncset.done @!p0 $0x0  }
0xc5: {  	[sflag:s0] =	ssyncadd.s32 @!p0 s1  }
0xc6: {  	[bflag:$0x3] =	sbarrier.arrive $0xFFFF  }
0xc7: {  	_ =	shalt  }

</sc_bundles>
